<compile_context>
chip_gen: v7x
topology: tpu7x:2x2x1
jax: 0.10.2.dev20260603
libtpu: 0.0.44.dev20260713+nightly
codegen_flags: <defaults>
</compile_context>

<pallas_src>
import functools

import jax
import jax.numpy as jnp
from jax import lax
from jax.experimental import pallas as pl
from jax.experimental.pallas import tpu as pltpu
from jax.experimental.pallas import tpu_sc as plsc

def _tc_body3(x_ref, emb_ref, partial_hbm_ref, out_ref):
    del partial_hbm_ref
    out_ref[0] = x_ref[0] + emb_ref[...]


def _tc_add_into(x, embedding, partial_out, seq_block, n_seq_blocks):
    batch, seq_len, dim = x.shape
    grid = (n_seq_blocks, batch)
    return pl.pallas_call(
        _tc_body3,
        grid=grid,
        in_specs=[
            pl.BlockSpec((1, seq_block, dim), lambda s, b: (b, s, 0)),
            pl.BlockSpec((seq_block, dim), lambda s, b: (s, 0)),
            pl.BlockSpec(memory_space=pl.ANY),
        ],
        out_specs=pl.BlockSpec((1, seq_block, dim), lambda s, b: (b, s, 0)),
        out_shape=jax.ShapeDtypeStruct((batch, seq_len, dim), x.dtype),
        input_output_aliases={2: 0},
        compiler_params=pltpu.CompilerParams(
            vmem_limit_bytes=64 * 1024 * 1024,
        ),
    )(x, embedding, partial_out)


_CHUNK_ROWS = 16
_N_XBUF = 3
_N_EBUF = 2


def _sc_add(x, embedding, seq_lo=0):
    n_batch, seq_len, dim = x.shape
    span = seq_len - seq_lo
    info = plsc.get_sparse_core_info()
    nw = info.num_cores * info.num_subcores
    rows_w = span // nw
    n_chunks = rows_w // _CHUNK_ROWS
    n_steps = n_chunks * n_batch
    mesh = plsc.VectorSubcoreMesh(core_axis_name="c", subcore_axis_name="s")

    @functools.partial(
        pl.kernel,
        mesh=mesh,
        out_type=jax.ShapeDtypeStruct((n_batch, seq_len, dim), x.dtype),
        scratch_types=[
            [pltpu.VMEM((_CHUNK_ROWS, dim), jnp.float32) for _ in range(_N_XBUF)],
            [pltpu.VMEM((_CHUNK_ROWS, dim), jnp.float32) for _ in range(_N_EBUF)],
            [pltpu.SemaphoreType.DMA for _ in range(_N_XBUF)],
            [pltpu.SemaphoreType.DMA for _ in range(_N_EBUF)],
            [pltpu.SemaphoreType.DMA for _ in range(_N_XBUF)],
        ],
    )
    def k(x_hbm, emb_hbm, out_hbm, xbufs, ebufs, xsems, esems, osems):
        wid = lax.axis_index("s") * info.num_cores + lax.axis_index("c")
        base_row = wid * rows_w

        def row0(ci):
            return pl.multiple_of(base_row + ci * _CHUNK_ROWS, 8)

        def start_xload(step):
            ci, b = divmod(step, n_batch)
            j = step % _N_XBUF
            return pltpu.async_copy(
                x_hbm.at[b, pl.ds(pl.multiple_of(seq_lo + row0(ci), 8), _CHUNK_ROWS), :],
                xbufs[j],
                xsems[j],
            )

        def start_eload(ci):
            j = ci % _N_EBUF
            return pltpu.async_copy(
                emb_hbm.at[pl.ds(pl.multiple_of(seq_lo + row0(ci), 8), _CHUNK_ROWS), :],
                ebufs[j],
                esems[j],
            )

        def start_store(step):
            ci, b = divmod(step, n_batch)
            j = step % _N_XBUF
            out_row = seq_lo + row0(ci)
            return pltpu.async_copy(
                xbufs[j],
                out_hbm.at[b, pl.ds(pl.multiple_of(out_row, 8), _CHUNK_ROWS), :],
                osems[j],
            )

        loads = {0: start_xload(0)}
        eloads = {0: start_eload(0)}
        stores = {}
        for i in range(n_steps):
            ci, b = divmod(i, n_batch)
            nxt = i + 1
            if nxt < n_steps:
                prev = nxt - _N_XBUF
                if prev in stores:
                    stores.pop(prev).wait()
                loads[nxt] = start_xload(nxt)
                nci = nxt // n_batch
                if nci != ci and nci not in eloads:
                    eloads[nci] = start_eload(nci)
            if b == 0:
                eloads.pop(ci).wait()
            loads.pop(i).wait()
            xb = xbufs[i % _N_XBUF]
            eb = ebufs[ci % _N_EBUF]

            def row_body(r, carry):
                @plsc.parallel_loop(0, dim, step=16, unroll=8)
                def _(j):
                    sl = pl.ds(pl.multiple_of(j, 16), 16)
                    xb[r, sl] = xb[r, sl] + eb[r, sl]

                return carry

            lax.fori_loop(0, _CHUNK_ROWS, row_body, 0)

            stores[i] = start_store(i)
        for s in stores.values():
            s.wait()

    return k(x, embedding)


_SC_SEQ_ROWS = 512


def kernel(x, embedding):
    batch, seq_len, dim = x.shape
    seq_lo = seq_len - _SC_SEQ_ROWS
    sc_full = _sc_add(x, embedding, seq_lo=seq_lo)
    return _tc_add_into(
        x, embedding, sc_full, seq_block=1920, n_seq_blocks=seq_lo // 1920
    )

# --- scband reference (transcript-rebuilt; emitter-appended) ---
"""Pipeline reference for scband-learned-positional-embedding-25065429139773 (READ-ONLY COPY).

The authoritative reference and input builder live on the scoring server;
editing this copy changes nothing except your own understanding.
"""

import jax, jax.numpy as jnp
import numpy as np


def setup_inputs(seed: int = 0) -> dict:
    key = jax.random.key(seed)
    k_x, k_emb = jax.random.split(key)
    x = jax.random.normal(k_x, (4, 8192, 1024), dtype=jnp.float32)
    embedding = jax.random.normal(k_emb, (8192, 1024), dtype=jnp.float32) * 0.02
    return {"x": x, "embedding": embedding}


def reference(x, embedding):
    seq_len = x.shape[1]
    position_ids = jnp.arange(seq_len)
    pos_embeds = jnp.take(embedding, position_ids, axis=0)
    return x + pos_embeds

if __name__ == "__main__":
    import jax
    _d = setup_inputs()
    print(jax.jit(kernel)(*tuple(_d.values())))

</pallas_src>

<mosaic_0001>
#map = affine_map<(d0, d1) -> (0, 0, 0)>
#map1 = affine_map<(d0, d1) -> (0, 0)>
module attributes {stable_mosaic.version = 14 : i64} {
  func.func @k(%arg0: i32, %arg1: i32, %arg2: memref<4x8192x1024xf32, #tpu.memory_space<hbm>>, %arg3: memref<8192x1024xf32, #tpu.memory_space<hbm>>, %arg4: memref<4x8192x1024xf32, #tpu.memory_space<hbm>>, %arg5: memref<16x1024xf32, #tpu.memory_space<vmem>>, %arg6: memref<16x1024xf32, #tpu.memory_space<vmem>>, %arg7: memref<16x1024xf32, #tpu.memory_space<vmem>>, %arg8: memref<16x1024xf32, #tpu.memory_space<vmem>>, %arg9: memref<16x1024xf32, #tpu.memory_space<vmem>>, %arg10: memref<!tpu.dma_semaphore, #tpu.memory_space<semaphore_mem>>, %arg11: memref<!tpu.dma_semaphore, #tpu.memory_space<semaphore_mem>>, %arg12: memref<!tpu.dma_semaphore, #tpu.memory_space<semaphore_mem>>, %arg13: memref<!tpu.dma_semaphore, #tpu.memory_space<semaphore_mem>>, %arg14: memref<!tpu.dma_semaphore, #tpu.memory_space<semaphore_mem>>, %arg15: memref<!tpu.dma_semaphore, #tpu.memory_space<semaphore_mem>>, %arg16: memref<!tpu.dma_semaphore, #tpu.memory_space<semaphore_mem>>, %arg17: memref<!tpu.dma_semaphore, #tpu.memory_space<semaphore_mem>>) attributes {dimension_semantics = [#tpu.dimension_semantics<core_parallel>, #tpu.dimension_semantics<subcore_parallel>], iteration_bounds = array<i64: 2, 16>, scalar_prefetch = 0 : i64, scratch_operands = 13 : i64, tpu.core_type = #tpu.core_type<sc_vector_subcore>, window_params = [{transform_indices = #map}, {transform_indices = #map1}, {transform_indices = #map}]} {
    %mul3A = arith.constant 2 : i32
    %mul3A_0 = arith.muli %arg1, %mul3A : i32
    %add3A = arith.addi %mul3A_0, %arg0 : i32
    %mul3A_1 = arith.constant 16 : i32
    %mul3A_2 = arith.muli %add3A, %mul3A_1 : i32
    %add3A_3 = arith.constant 0 : i32
    %add3A_4 = arith.addi %mul3A_2, %add3A_3 : i32
    %multiple_of3A = tpu.assume_multiple %add3A_4, 8 : i32
    %add3A_5 = arith.constant 7680 : i32
    %add3A_6 = arith.addi %add3A_5, %multiple_of3A : i32
    %multiple_of3A_7 = tpu.assume_multiple %add3A_6, 8 : i32
    %dma_start3A = arith.constant 0 : i32
    %dma_start3A_8 = arith.constant 0 : i32
    %dma_start3A_9 = tpu.memref_slice %arg2[%dma_start3A, %multiple_of3A_7, %dma_start3A_8] : memref<4x8192x1024xf32, #tpu.memory_space<hbm>> -> memref<1x16x1024xf32, #tpu.memory_space<hbm>>
    %dma_start3A_10 = tpu.memref_squeeze %dma_start3A_9 : memref<1x16x1024xf32, #tpu.memory_space<hbm>> -> memref<16x1024xf32, #tpu.memory_space<hbm>>
    %dma_start3A_11 = arith.constant 0 : i32
    %dma_start3A_12 = tpu.memref_slice %arg2[%dma_start3A, %multiple_of3A_7, %dma_start3A_11] : memref<4x8192x1024xf32, #tpu.memory_space<hbm>> -> memref<1x16x1024xf32, #tpu.memory_space<hbm>>
    %dma_start3A_13 = tpu.memref_squeeze %dma_start3A_12 : memref<1x16x1024xf32, #tpu.memory_space<hbm>> -> memref<16x1024xf32, #tpu.memory_space<hbm>>
    tpu.enqueue_dma source(%dma_start3A_13 : memref<16x1024xf32, #tpu.memory_space<hbm>>) target(%arg5 : memref<16x1024xf32, #tpu.memory_space<vmem>>) target_semaphore(%arg10 : memref<!tpu.dma_semaphore, #tpu.memory_space<semaphore_mem>>)
    %add3A_14 = arith.constant 0 : i32
    %add3A_15 = arith.addi %mul3A_2, %add3A_14 : i32
    %multiple_of3A_16 = tpu.assume_multiple %add3A_15, 8 : i32
    %add3A_17 = arith.constant 7680 : i32
    %add3A_18 = arith.addi %add3A_17, %multiple_of3A_16 : i32
    %multiple_of3A_19 = tpu.assume_multiple %add3A_18, 8 : i32
    %dma_start3A_20 = arith.constant 0 : i32
    %dma_start3A_21 = tpu.memref_slice %arg3[%multiple_of3A_19, %dma_start3A_20] : memref<8192x1024xf32, #tpu.memory_space<hbm>> -> memref<16x1024xf32, #tpu.memory_space<hbm>>
    %dma_start3A_22 = arith.constant 0 : i32
    %dma_start3A_23 = tpu.memref_slice %arg3[%multiple_of3A_19, %dma_start3A_22] : memref<8192x1024xf32, #tpu.memory_space<hbm>> -> memref<16x1024xf32, #tpu.memory_space<hbm>>
    tpu.enqueue_dma source(%dma_start3A_23 : memref<16x1024xf32, #tpu.memory_space<hbm>>) target(%arg8 : memref<16x1024xf32, #tpu.memory_space<vmem>>) target_semaphore(%arg13 : memref<!tpu.dma_semaphore, #tpu.memory_space<semaphore_mem>>)
    %add3A_24 = arith.constant 0 : i32
    %add3A_25 = arith.addi %mul3A_2, %add3A_24 : i32
    %multiple_of3A_26 = tpu.assume_multiple %add3A_25, 8 : i32
    %add3A_27 = arith.constant 7680 : i32
    %add3A_28 = arith.addi %add3A_27, %multiple_of3A_26 : i32
    %multiple_of3A_29 = tpu.assume_multiple %add3A_28, 8 : i32
    %dma_start3A_30 = arith.constant 1 : i32
    %dma_start3A_31 = arith.constant 0 : i32
    %dma_start3A_32 = tpu.memref_slice %arg2[%dma_start3A_30, %multiple_of3A_29, %dma_start3A_31] : memref<4x8192x1024xf32, #tpu.memory_space<hbm>> -> memref<1x16x1024xf32, #tpu.memory_space<hbm>>
    %dma_start3A_33 = tpu.memref_squeeze %dma_start3A_32 : memref<1x16x1024xf32, #tpu.memory_space<hbm>> -> memref<16x1024xf32, #tpu.memory_space<hbm>>
    %dma_start3A_34 = arith.constant 0 : i32
    %dma_start3A_35 = tpu.memref_slice %arg2[%dma_start3A_30, %multiple_of3A_29, %dma_start3A_34] : memref<4x8192x1024xf32, #tpu.memory_space<hbm>> -> memref<1x16x1024xf32, #tpu.memory_space<hbm>>
    %dma_start3A_36 = tpu.memref_squeeze %dma_start3A_35 : memref<1x16x1024xf32, #tpu.memory_space<hbm>> -> memref<16x1024xf32, #tpu.memory_space<hbm>>
    tpu.enqueue_dma source(%dma_start3A_36 : memref<16x1024xf32, #tpu.memory_space<hbm>>) target(%arg6 : memref<16x1024xf32, #tpu.memory_space<vmem>>) target_semaphore(%arg11 : memref<!tpu.dma_semaphore, #tpu.memory_space<semaphore_mem>>)
    %dma_wait3A = arith.constant 0 : i32
    %dma_wait3A_37 = tpu.memref_slice %arg3[%multiple_of3A_19, %dma_wait3A] : memref<8192x1024xf32, #tpu.memory_space<hbm>> -> memref<16x1024xf32, #tpu.memory_space<hbm>>
    %dma_wait3A_38 = arith.constant 0 : i32
    %dma_wait3A_39 = tpu.memref_slice %arg3[%multiple_of3A_19, %dma_wait3A_38] : memref<8192x1024xf32, #tpu.memory_space<hbm>> -> memref<16x1024xf32, #tpu.memory_space<hbm>>
    tpu.wait_dma2 semaphore(%arg13 : memref<!tpu.dma_semaphore, #tpu.memory_space<semaphore_mem>>) src(%dma_wait3A_39 : memref<16x1024xf32, #tpu.memory_space<hbm>>) dst(%arg8 : memref<16x1024xf32, #tpu.memory_space<vmem>>)
    %dma_wait3A_40 = arith.constant 0 : i32
    %dma_wait3A_41 = arith.constant 0 : i32
    %dma_wait3A_42 = tpu.memref_slice %arg2[%dma_wait3A_40, %multiple_of3A_7, %dma_wait3A_41] : memref<4x8192x1024xf32, #tpu.memory_space<hbm>> -> memref<1x16x1024xf32, #tpu.memory_space<hbm>>
    %dma_wait3A_43 = tpu.memref_squeeze %dma_wait3A_42 : memref<1x16x1024xf32, #tpu.memory_space<hbm>> -> memref<16x1024xf32, #tpu.memory_space<hbm>>
    %dma_wait3A_44 = arith.constant 0 : i32
    %dma_wait3A_45 = tpu.memref_slice %arg2[%dma_wait3A_40, %multiple_of3A_7, %dma_wait3A_44] : memref<4x8192x1024xf32, #tpu.memory_space<hbm>> -> memref<1x16x1024xf32, #tpu.memory_space<hbm>>
    %dma_wait3A_46 = tpu.memref_squeeze %dma_wait3A_45 : memref<1x16x1024xf32, #tpu.memory_space<hbm>> -> memref<16x1024xf32, #tpu.memory_space<hbm>>
    tpu.wait_dma2 semaphore(%arg10 : memref<!tpu.dma_semaphore, #tpu.memory_space<semaphore_mem>>) src(%dma_wait3A_46 : memref<16x1024xf32, #tpu.memory_space<hbm>>) dst(%arg5 : memref<16x1024xf32, #tpu.memory_space<vmem>>)
    %scan3A = arith.constant 0 : i32
    %scan3A_47 = arith.constant 0 : i32
    %scan3A_48 = arith.constant 16 : i32
    %scan3A_49 = arith.addi %scan3A_47, %scan3A_48 : i32
    %scan3A_50 = arith.constant 1 : i32
    scf.for %scan3A_197 = %scan3A_47 to %scan3A_49 step %scan3A_50  : i32 {
      %parallel_loop3A = arith.constant 0 : i32
      %parallel_loop3A_198 = arith.constant 1024 : i32
      %parallel_loop3A_199 = arith.constant 16 : i32
      scf.for %parallel_loop3A_200 = %parallel_loop3A to %parallel_loop3A_198 step %parallel_loop3A_199  : i32 {
        %parallel_loop3A_201 = tpu.assume_multiple %parallel_loop3A_200, 16 : i32
        %parallel_loop3A_202 = arith.index_cast %scan3A_197 : i32 to index
        %parallel_loop3A_203 = arith.index_cast %parallel_loop3A_201 : i32 to index
        %parallel_loop3A_204 = tpu.vector_load %arg5[%parallel_loop3A_202, %parallel_loop3A_203] {strides = array<i32>} : memref<16x1024xf32, #tpu.memory_space<vmem>>, vector<1x16xf32>,
        %parallel_loop3A_205 = vector.shape_cast %parallel_loop3A_204 : vector<1x16xf32> to vector<16xf32>
        %parallel_loop3A_206 = arith.index_cast %scan3A_197 : i32 to index
        %parallel_loop3A_207 = arith.index_cast %parallel_loop3A_201 : i32 to index
        %parallel_loop3A_208 = tpu.vector_load %arg8[%parallel_loop3A_206, %parallel_loop3A_207] {strides = array<i32>} : memref<16x1024xf32, #tpu.memory_space<vmem>>, vector<1x16xf32>,
        %parallel_loop3A_209 = vector.shape_cast %parallel_loop3A_208 : vector<1x16xf32> to vector<16xf32>
        %parallel_loop3A_210 = arith.addf %parallel_loop3A_205, %parallel_loop3A_209 : vector<16xf32>
        %parallel_loop3A_211 = arith.index_cast %scan3A_197 : i32 to index
        %parallel_loop3A_212 = arith.index_cast %parallel_loop3A_201 : i32 to index
        %parallel_loop3A_213 = tpu.vector_load %arg5[%parallel_loop3A_211, %parallel_loop3A_212] {strides = array<i32>} : memref<16x1024xf32, #tpu.memory_space<vmem>>, vector<1x16xf32>,
        %parallel_loop3A_214 = vector.shape_cast %parallel_loop3A_213 : vector<1x16xf32> to vector<16xf32>
        %parallel_loop3A_215 = vector.shape_cast %parallel_loop3A_210 : vector<16xf32> to vector<1x16xf32>
        tpu.vector_store %arg5[%parallel_loop3A_211, %parallel_loop3A_212], %parallel_loop3A_215 {strides = array<i32>} : memref<16x1024xf32, #tpu.memory_space<vmem>>, vector<1x16xf32>,
      } {sc.loop_unroll_factor = 8 : i64, sc.parallel_access}
    }
    %scan3A_51 = arith.constant 16 : i32
    %add3A_52 = arith.constant 0 : i32
    %add3A_53 = arith.addi %mul3A_2, %add3A_52 : i32
    %multiple_of3A_54 = tpu.assume_multiple %add3A_53, 8 : i32
    %add3A_55 = arith.constant 7680 : i32
    %add3A_56 = arith.addi %add3A_55, %multiple_of3A_54 : i32
    %multiple_of3A_57 = tpu.assume_multiple %add3A_56, 8 : i32
    %dma_start3A_58 = arith.constant 0 : i32
    %dma_start3A_59 = arith.constant 0 : i32
    %dma_start3A_60 = tpu.memref_slice %arg4[%dma_start3A_58, %multiple_of3A_57, %dma_start3A_59] : memref<4x8192x1024xf32, #tpu.memory_space<hbm>> -> memref<1x16x1024xf32, #tpu.memory_space<hbm>>
    %dma_start3A_61 = tpu.memref_squeeze %dma_start3A_60 : memref<1x16x1024xf32, #tpu.memory_space<hbm>> -> memref<16x1024xf32, #tpu.memory_space<hbm>>
    %dma_start3A_62 = arith.constant 0 : i32
    %dma_start3A_63 = tpu.memref_slice %arg4[%dma_start3A_58, %multiple_of3A_57, %dma_start3A_62] : memref<4x8192x1024xf32, #tpu.memory_space<hbm>> -> memref<1x16x1024xf32, #tpu.memory_space<hbm>>
    %dma_start3A_64 = tpu.memref_squeeze %dma_start3A_63 : memref<1x16x1024xf32, #tpu.memory_space<hbm>> -> memref<16x1024xf32, #tpu.memory_space<hbm>>
    tpu.enqueue_dma source(%arg5 : memref<16x1024xf32, #tpu.memory_space<vmem>>) target(%dma_start3A_64 : memref<16x1024xf32, #tpu.memory_space<hbm>>) target_semaphore(%arg15 : memref<!tpu.dma_semaphore, #tpu.memory_space<semaphore_mem>>)
    %add3A_65 = arith.constant 0 : i32
    %add3A_66 = arith.addi %mul3A_2, %add3A_65 : i32
    %multiple_of3A_67 = tpu.assume_multiple %add3A_66, 8 : i32
    %add3A_68 = arith.constant 7680 : i32
    %add3A_69 = arith.addi %add3A_68, %multiple_of3A_67 : i32
    %multiple_of3A_70 = tpu.assume_multiple %add3A_69, 8 : i32
    %dma_start3A_71 = arith.constant 2 : i32
    %dma_start3A_72 = arith.constant 0 : i32
    %dma_start3A_73 = tpu.memref_slice %arg2[%dma_start3A_71, %multiple_of3A_70, %dma_start3A_72] : memref<4x8192x1024xf32, #tpu.memory_space<hbm>> -> memref<1x16x1024xf32, #tpu.memory_space<hbm>>
    %dma_start3A_74 = tpu.memref_squeeze %dma_start3A_73 : memref<1x16x1024xf32, #tpu.memory_space<hbm>> -> memref<16x1024xf32, #tpu.memory_space<hbm>>
    %dma_start3A_75 = arith.constant 0 : i32
    %dma_start3A_76 = tpu.memref_slice %arg2[%dma_start3A_71, %multiple_of3A_70, %dma_start3A_75] : memref<4x8192x1024xf32, #tpu.memory_space<hbm>> -> memref<1x16x1024xf32, #tpu.memory_space<hbm>>
    %dma_start3A_77 = tpu.memref_squeeze %dma_start3A_76 : memref<1x16x1024xf32, #tpu.memory_space<hbm>> -> memref<16x1024xf32, #tpu.memory_space<hbm>>
    tpu.enqueue_dma source(%dma_start3A_77 : memref<16x1024xf32, #tpu.memory_space<hbm>>) target(%arg7 : memref<16x1024xf32, #tpu.memory_space<vmem>>) target_semaphore(%arg12 : memref<!tpu.dma_semaphore, #tpu.memory_space<semaphore_mem>>)
    %dma_wait3A_78 = arith.constant 1 : i32
    %dma_wait3A_79 = arith.constant 0 : i32
    %dma_wait3A_80 = tpu.memref_slice %arg2[%dma_wait3A_78, %multiple_of3A_29, %dma_wait3A_79] : memref<4x8192x1024xf32, #tpu.memory_space<hbm>> -> memref<1x16x1024xf32, #tpu.memory_space<hbm>>
    %dma_wait3A_81 = tpu.memref_squeeze %dma_wait3A_80 : memref<1x16x1024xf32, #tpu.memory_space<hbm>> -> memref<16x1024xf32, #tpu.memory_space<hbm>>
    %dma_wait3A_82 = arith.constant 0 : i32
    %dma_wait3A_83 = tpu.memref_slice %arg2[%dma_wait3A_78, %multiple_of3A_29, %dma_wait3A_82] : memref<4x8192x1024xf32, #tpu.memory_space<hbm>> -> memref<1x16x1024xf32, #tpu.memory_space<hbm>>
    %dma_wait3A_84 = tpu.memref_squeeze %dma_wait3A_83 : memref<1x16x1024xf32, #tpu.memory_space<hbm>> -> memref<16x1024xf32, #tpu.memory_space<hbm>>
    tpu.wait_dma2 semaphore(%arg11 : memref<!tpu.dma_semaphore, #tpu.memory_space<semaphore_mem>>) src(%dma_wait3A_84 : memref<16x1024xf32, #tpu.memory_space<hbm>>) dst(%arg6 : memref<16x1024xf32, #tpu.memory_space<vmem>>)
    %scan3A_85 = arith.constant 0 : i32
    %scan3A_86 = arith.constant 0 : i32
    %scan3A_87 = arith.constant 16 : i32
    %scan3A_88 = arith.addi %scan3A_86, %scan3A_87 : i32
    %scan3A_89 = arith.constant 1 : i32
    scf.for %scan3A_197 = %scan3A_86 to %scan3A_88 step %scan3A_89  : i32 {
      %parallel_loop3A = arith.constant 0 : i32
      %parallel_loop3A_198 = arith.constant 1024 : i32
      %parallel_loop3A_199 = arith.constant 16 : i32
      scf.for %parallel_loop3A_200 = %parallel_loop3A to %parallel_loop3A_198 step %parallel_loop3A_199  : i32 {
        %parallel_loop3A_201 = tpu.assume_multiple %parallel_loop3A_200, 16 : i32
        %parallel_loop3A_202 = arith.index_cast %scan3A_197 : i32 to index
        %parallel_loop3A_203 = arith.index_cast %parallel_loop3A_201 : i32 to index
        %parallel_loop3A_204 = tpu.vector_load %arg6[%parallel_loop3A_202, %parallel_loop3A_203] {strides = array<i32>} : memref<16x1024xf32, #tpu.memory_space<vmem>>, vector<1x16xf32>,
        %parallel_loop3A_205 = vector.shape_cast %parallel_loop3A_204 : vector<1x16xf32> to vector<16xf32>
        %parallel_loop3A_206 = arith.index_cast %scan3A_197 : i32 to index
        %parallel_loop3A_207 = arith.index_cast %parallel_loop3A_201 : i32 to index
        %parallel_loop3A_208 = tpu.vector_load %arg8[%parallel_loop3A_206, %parallel_loop3A_207] {strides = array<i32>} : memref<16x1024xf32, #tpu.memory_space<vmem>>, vector<1x16xf32>,
        %parallel_loop3A_209 = vector.shape_cast %parallel_loop3A_208 : vector<1x16xf32> to vector<16xf32>
        %parallel_loop3A_210 = arith.addf %parallel_loop3A_205, %parallel_loop3A_209 : vector<16xf32>
        %parallel_loop3A_211 = arith.index_cast %scan3A_197 : i32 to index
        %parallel_loop3A_212 = arith.index_cast %parallel_loop3A_201 : i32 to index
        %parallel_loop3A_213 = tpu.vector_load %arg6[%parallel_loop3A_211, %parallel_loop3A_212] {strides = array<i32>} : memref<16x1024xf32, #tpu.memory_space<vmem>>, vector<1x16xf32>,
        %parallel_loop3A_214 = vector.shape_cast %parallel_loop3A_213 : vector<1x16xf32> to vector<16xf32>
        %parallel_loop3A_215 = vector.shape_cast %parallel_loop3A_210 : vector<16xf32> to vector<1x16xf32>
        tpu.vector_store %arg6[%parallel_loop3A_211, %parallel_loop3A_212], %parallel_loop3A_215 {strides = array<i32>} : memref<16x1024xf32, #tpu.memory_space<vmem>>, vector<1x16xf32>,
      } {sc.loop_unroll_factor = 8 : i64, sc.parallel_access}
    }
    %scan3A_90 = arith.constant 16 : i32
    %add3A_91 = arith.constant 0 : i32
    %add3A_92 = arith.addi %mul3A_2, %add3A_91 : i32
    %multiple_of3A_93 = tpu.assume_multiple %add3A_92, 8 : i32
    %add3A_94 = arith.constant 7680 : i32
    %add3A_95 = arith.addi %add3A_94, %multiple_of3A_93 : i32
    %multiple_of3A_96 = tpu.assume_multiple %add3A_95, 8 : i32
    %dma_start3A_97 = arith.constant 1 : i32
    %dma_start3A_98 = arith.constant 0 : i32
    %dma_start3A_99 = tpu.memref_slice %arg4[%dma_start3A_97, %multiple_of3A_96, %dma_start3A_98] : memref<4x8192x1024xf32, #tpu.memory_space<hbm>> -> memref<1x16x1024xf32, #tpu.memory_space<hbm>>
    %dma_start3A_100 = tpu.memref_squeeze %dma_start3A_99 : memref<1x16x1024xf32, #tpu.memory_space<hbm>> -> memref<16x1024xf32, #tpu.memory_space<hbm>>
    %dma_start3A_101 = arith.constant 0 : i32
    %dma_start3A_102 = tpu.memref_slice %arg4[%dma_start3A_97, %multiple_of3A_96, %dma_start3A_101] : memref<4x8192x1024xf32, #tpu.memory_space<hbm>> -> memref<1x16x1024xf32, #tpu.memory_space<hbm>>
    %dma_start3A_103 = tpu.memref_squeeze %dma_start3A_102 : memref<1x16x1024xf32, #tpu.memory_space<hbm>> -> memref<16x1024xf32, #tpu.memory_space<hbm>>
    tpu.enqueue_dma source(%arg6 : memref<16x1024xf32, #tpu.memory_space<vmem>>) target(%dma_start3A_103 : memref<16x1024xf32, #tpu.memory_space<hbm>>) target_semaphore(%arg16 : memref<!tpu.dma_semaphore, #tpu.memory_space<semaphore_mem>>)
    %dma_wait3A_104 = arith.constant 0 : i32
    %dma_wait3A_105 = arith.constant 0 : i32
    %dma_wait3A_106 = tpu.memref_slice %arg4[%dma_wait3A_104, %multiple_of3A_57, %dma_wait3A_105] : memref<4x8192x1024xf32, #tpu.memory_space<hbm>> -> memref<1x16x1024xf32, #tpu.memory_space<hbm>>
    %dma_wait3A_107 = tpu.memref_squeeze %dma_wait3A_106 : memref<1x16x1024xf32, #tpu.memory_space<hbm>> -> memref<16x1024xf32, #tpu.memory_space<hbm>>
    %dma_wait3A_108 = arith.constant 0 : i32
    %dma_wait3A_109 = tpu.memref_slice %arg4[%dma_wait3A_104, %multiple_of3A_57, %dma_wait3A_108] : memref<4x8192x1024xf32, #tpu.memory_space<hbm>> -> memref<1x16x1024xf32, #tpu.memory_space<hbm>>
    %dma_wait3A_110 = tpu.memref_squeeze %dma_wait3A_109 : memref<1x16x1024xf32, #tpu.memory_space<hbm>> -> memref<16x1024xf32, #tpu.memory_space<hbm>>
    tpu.wait_dma2 semaphore(%arg15 : memref<!tpu.dma_semaphore, #tpu.memory_space<semaphore_mem>>) src(%arg5 : memref<16x1024xf32, #tpu.memory_space<vmem>>) dst(%dma_wait3A_110 : memref<16x1024xf32, #tpu.memory_space<hbm>>)
    %add3A_111 = arith.constant 0 : i32
    %add3A_112 = arith.addi %mul3A_2, %add3A_111 : i32
    %multiple_of3A_113 = tpu.assume_multiple %add3A_112, 8 : i32
    %add3A_114 = arith.constant 7680 : i32
    %add3A_115 = arith.addi %add3A_114, %multiple_of3A_113 : i32
    %multiple_of3A_116 = tpu.assume_multiple %add3A_115, 8 : i32
    %dma_start3A_117 = arith.constant 3 : i32
    %dma_start3A_118 = arith.constant 0 : i32
    %dma_start3A_119 = tpu.memref_slice %arg2[%dma_start3A_117, %multiple_of3A_116, %dma_start3A_118] : memref<4x8192x1024xf32, #tpu.memory_space<hbm>> -> memref<1x16x1024xf32, #tpu.memory_space<hbm>>
    %dma_start3A_120 = tpu.memref_squeeze %dma_start3A_119 : memref<1x16x1024xf32, #tpu.memory_space<hbm>> -> memref<16x1024xf32, #tpu.memory_space<hbm>>
    %dma_start3A_121 = arith.constant 0 : i32
    %dma_start3A_122 = tpu.memref_slice %arg2[%dma_start3A_117, %multiple_of3A_116, %dma_start3A_121] : memref<4x8192x1024xf32, #tpu.memory_space<hbm>> -> memref<1x16x1024xf32, #tpu.memory_space<hbm>>
    %dma_start3A_123 = tpu.memref_squeeze %dma_start3A_122 : memref<1x16x1024xf32, #tpu.memory_space<hbm>> -> memref<16x1024xf32, #tpu.memory_space<hbm>>
    tpu.enqueue_dma source(%dma_start3A_123 : memref<16x1024xf32, #tpu.memory_space<hbm>>) target(%arg5 : memref<16x1024xf32, #tpu.memory_space<vmem>>) target_semaphore(%arg10 : memref<!tpu.dma_semaphore, #tpu.memory_space<semaphore_mem>>)
    %dma_wait3A_124 = arith.constant 2 : i32
    %dma_wait3A_125 = arith.constant 0 : i32
    %dma_wait3A_126 = tpu.memref_slice %arg2[%dma_wait3A_124, %multiple_of3A_70, %dma_wait3A_125] : memref<4x8192x1024xf32, #tpu.memory_space<hbm>> -> memref<1x16x1024xf32, #tpu.memory_space<hbm>>
    %dma_wait3A_127 = tpu.memref_squeeze %dma_wait3A_126 : memref<1x16x1024xf32, #tpu.memory_space<hbm>> -> memref<16x1024xf32, #tpu.memory_space<hbm>>
    %dma_wait3A_128 = arith.constant 0 : i32
    %dma_wait3A_129 = tpu.memref_slice %arg2[%dma_wait3A_124, %multiple_of3A_70, %dma_wait3A_128] : memref<4x8192x1024xf32, #tpu.memory_space<hbm>> -> memref<1x16x1024xf32, #tpu.memory_space<hbm>>
    %dma_wait3A_130 = tpu.memref_squeeze %dma_wait3A_129 : memref<1x16x1024xf32, #tpu.memory_space<hbm>> -> memref<16x1024xf32, #tpu.memory_space<hbm>>
    tpu.wait_dma2 semaphore(%arg12 : memref<!tpu.dma_semaphore, #tpu.memory_space<semaphore_mem>>) src(%dma_wait3A_130 : memref<16x1024xf32, #tpu.memory_space<hbm>>) dst(%arg7 : memref<16x1024xf32, #tpu.memory_space<vmem>>)
    %scan3A_131 = arith.constant 0 : i32
    %scan3A_132 = arith.constant 0 : i32
    %scan3A_133 = arith.constant 16 : i32
    %scan3A_134 = arith.addi %scan3A_132, %scan3A_133 : i32
    %scan3A_135 = arith.constant 1 : i32
    scf.for %scan3A_197 = %scan3A_132 to %scan3A_134 step %scan3A_135  : i32 {
      %parallel_loop3A = arith.constant 0 : i32
      %parallel_loop3A_198 = arith.constant 1024 : i32
      %parallel_loop3A_199 = arith.constant 16 : i32
      scf.for %parallel_loop3A_200 = %parallel_loop3A to %parallel_loop3A_198 step %parallel_loop3A_199  : i32 {
        %parallel_loop3A_201 = tpu.assume_multiple %parallel_loop3A_200, 16 : i32
        %parallel_loop3A_202 = arith.index_cast %scan3A_197 : i32 to index
        %parallel_loop3A_203 = arith.index_cast %parallel_loop3A_201 : i32 to index
        %parallel_loop3A_204 = tpu.vector_load %arg7[%parallel_loop3A_202, %parallel_loop3A_203] {strides = array<i32>} : memref<16x1024xf32, #tpu.memory_space<vmem>>, vector<1x16xf32>,
        %parallel_loop3A_205 = vector.shape_cast %parallel_loop3A_204 : vector<1x16xf32> to vector<16xf32>
        %parallel_loop3A_206 = arith.index_cast %scan3A_197 : i32 to index
        %parallel_loop3A_207 = arith.index_cast %parallel_loop3A_201 : i32 to index
        %parallel_loop3A_208 = tpu.vector_load %arg8[%parallel_loop3A_206, %parallel_loop3A_207] {strides = array<i32>} : memref<16x1024xf32, #tpu.memory_space<vmem>>, vector<1x16xf32>,
        %parallel_loop3A_209 = vector.shape_cast %parallel_loop3A_208 : vector<1x16xf32> to vector<16xf32>
        %parallel_loop3A_210 = arith.addf %parallel_loop3A_205, %parallel_loop3A_209 : vector<16xf32>
        %parallel_loop3A_211 = arith.index_cast %scan3A_197 : i32 to index
        %parallel_loop3A_212 = arith.index_cast %parallel_loop3A_201 : i32 to index
        %parallel_loop3A_213 = tpu.vector_load %arg7[%parallel_loop3A_211, %parallel_loop3A_212] {strides = array<i32>} : memref<16x1024xf32, #tpu.memory_space<vmem>>, vector<1x16xf32>,
        %parallel_loop3A_214 = vector.shape_cast %parallel_loop3A_213 : vector<1x16xf32> to vector<16xf32>
        %parallel_loop3A_215 = vector.shape_cast %parallel_loop3A_210 : vector<16xf32> to vector<1x16xf32>
        tpu.vector_store %arg7[%parallel_loop3A_211, %parallel_loop3A_212], %parallel_loop3A_215 {strides = array<i32>} : memref<16x1024xf32, #tpu.memory_space<vmem>>, vector<1x16xf32>,
      } {sc.loop_unroll_factor = 8 : i64, sc.parallel_access}
    }
    %scan3A_136 = arith.constant 16 : i32
    %add3A_137 = arith.constant 0 : i32
    %add3A_138 = arith.addi %mul3A_2, %add3A_137 : i32
    %multiple_of3A_139 = tpu.assume_multiple %add3A_138, 8 : i32
    %add3A_140 = arith.constant 7680 : i32
    %add3A_141 = arith.addi %add3A_140, %multiple_of3A_139 : i32
    %multiple_of3A_142 = tpu.assume_multiple %add3A_141, 8 : i32
    %dma_start3A_143 = arith.constant 2 : i32
    %dma_start3A_144 = arith.constant 0 : i32
    %dma_start3A_145 = tpu.memref_slice %arg4[%dma_start3A_143, %multiple_of3A_142, %dma_start3A_144] : memref<4x8192x1024xf32, #tpu.memory_space<hbm>> -> memref<1x16x1024xf32, #tpu.memory_space<hbm>>
    %dma_start3A_146 = tpu.memref_squeeze %dma_start3A_145 : memref<1x16x1024xf32, #tpu.memory_space<hbm>> -> memref<16x1024xf32, #tpu.memory_space<hbm>>
    %dma_start3A_147 = arith.constant 0 : i32
    %dma_start3A_148 = tpu.memref_slice %arg4[%dma_start3A_143, %multiple_of3A_142, %dma_start3A_147] : memref<4x8192x1024xf32, #tpu.memory_space<hbm>> -> memref<1x16x1024xf32, #tpu.memory_space<hbm>>
    %dma_start3A_149 = tpu.memref_squeeze %dma_start3A_148 : memref<1x16x1024xf32, #tpu.memory_space<hbm>> -> memref<16x1024xf32, #tpu.memory_space<hbm>>
    tpu.enqueue_dma source(%arg7 : memref<16x1024xf32, #tpu.memory_space<vmem>>) target(%dma_start3A_149 : memref<16x1024xf32, #tpu.memory_space<hbm>>) target_semaphore(%arg17 : memref<!tpu.dma_semaphore, #tpu.memory_space<semaphore_mem>>)
    %dma_wait3A_150 = arith.constant 3 : i32
    %dma_wait3A_151 = arith.constant 0 : i32
    %dma_wait3A_152 = tpu.memref_slice %arg2[%dma_wait3A_150, %multiple_of3A_116, %dma_wait3A_151] : memref<4x8192x1024xf32, #tpu.memory_space<hbm>> -> memref<1x16x1024xf32, #tpu.memory_space<hbm>>
    %dma_wait3A_153 = tpu.memref_squeeze %dma_wait3A_152 : memref<1x16x1024xf32, #tpu.memory_space<hbm>> -> memref<16x1024xf32, #tpu.memory_space<hbm>>
    %dma_wait3A_154 = arith.constant 0 : i32
    %dma_wait3A_155 = tpu.memref_slice %arg2[%dma_wait3A_150, %multiple_of3A_116, %dma_wait3A_154] : memref<4x8192x1024xf32, #tpu.memory_space<hbm>> -> memref<1x16x1024xf32, #tpu.memory_space<hbm>>
    %dma_wait3A_156 = tpu.memref_squeeze %dma_wait3A_155 : memref<1x16x1024xf32, #tpu.memory_space<hbm>> -> memref<16x1024xf32, #tpu.memory_space<hbm>>
    tpu.wait_dma2 semaphore(%arg10 : memref<!tpu.dma_semaphore, #tpu.memory_space<semaphore_mem>>) src(%dma_wait3A_156 : memref<16x1024xf32, #tpu.memory_space<hbm>>) dst(%arg5 : memref<16x1024xf32, #tpu.memory_space<vmem>>)
    %scan3A_157 = arith.constant 0 : i32
    %scan3A_158 = arith.constant 0 : i32
    %scan3A_159 = arith.constant 16 : i32
    %scan3A_160 = arith.addi %scan3A_158, %scan3A_159 : i32
    %scan3A_161 = arith.constant 1 : i32
    scf.for %scan3A_197 = %scan3A_158 to %scan3A_160 step %scan3A_161  : i32 {
      %parallel_loop3A = arith.constant 0 : i32
      %parallel_loop3A_198 = arith.constant 1024 : i32
      %parallel_loop3A_199 = arith.constant 16 : i32
      scf.for %parallel_loop3A_200 = %parallel_loop3A to %parallel_loop3A_198 step %parallel_loop3A_199  : i32 {
        %parallel_loop3A_201 = tpu.assume_multiple %parallel_loop3A_200, 16 : i32
        %parallel_loop3A_202 = arith.index_cast %scan3A_197 : i32 to index
        %parallel_loop3A_203 = arith.index_cast %parallel_loop3A_201 : i32 to index
        %parallel_loop3A_204 = tpu.vector_load %arg5[%parallel_loop3A_202, %parallel_loop3A_203] {strides = array<i32>} : memref<16x1024xf32, #tpu.memory_space<vmem>>, vector<1x16xf32>,
        %parallel_loop3A_205 = vector.shape_cast %parallel_loop3A_204 : vector<1x16xf32> to vector<16xf32>
        %parallel_loop3A_206 = arith.index_cast %scan3A_197 : i32 to index
        %parallel_loop3A_207 = arith.index_cast %parallel_loop3A_201 : i32 to index
        %parallel_loop3A_208 = tpu.vector_load %arg8[%parallel_loop3A_206, %parallel_loop3A_207] {strides = array<i32>} : memref<16x1024xf32, #tpu.memory_space<vmem>>, vector<1x16xf32>,
        %parallel_loop3A_209 = vector.shape_cast %parallel_loop3A_208 : vector<1x16xf32> to vector<16xf32>
        %parallel_loop3A_210 = arith.addf %parallel_loop3A_205, %parallel_loop3A_209 : vector<16xf32>
        %parallel_loop3A_211 = arith.index_cast %scan3A_197 : i32 to index
        %parallel_loop3A_212 = arith.index_cast %parallel_loop3A_201 : i32 to index
        %parallel_loop3A_213 = tpu.vector_load %arg5[%parallel_loop3A_211, %parallel_loop3A_212] {strides = array<i32>} : memref<16x1024xf32, #tpu.memory_space<vmem>>, vector<1x16xf32>,
        %parallel_loop3A_214 = vector.shape_cast %parallel_loop3A_213 : vector<1x16xf32> to vector<16xf32>
        %parallel_loop3A_215 = vector.shape_cast %parallel_loop3A_210 : vector<16xf32> to vector<1x16xf32>
        tpu.vector_store %arg5[%parallel_loop3A_211, %parallel_loop3A_212], %parallel_loop3A_215 {strides = array<i32>} : memref<16x1024xf32, #tpu.memory_space<vmem>>, vector<1x16xf32>,
      } {sc.loop_unroll_factor = 8 : i64, sc.parallel_access}
    }
    %scan3A_162 = arith.constant 16 : i32
    %add3A_163 = arith.constant 0 : i32
    %add3A_164 = arith.addi %mul3A_2, %add3A_163 : i32
    %multiple_of3A_165 = tpu.assume_multiple %add3A_164, 8 : i32
    %add3A_166 = arith.constant 7680 : i32
    %add3A_167 = arith.addi %add3A_166, %multiple_of3A_165 : i32
    %multiple_of3A_168 = tpu.assume_multiple %add3A_167, 8 : i32
    %dma_start3A_169 = arith.constant 3 : i32
    %dma_start3A_170 = arith.constant 0 : i32
    %dma_start3A_171 = tpu.memref_slice %arg4[%dma_start3A_169, %multiple_of3A_168, %dma_start3A_170] : memref<4x8192x1024xf32, #tpu.memory_space<hbm>> -> memref<1x16x1024xf32, #tpu.memory_space<hbm>>
    %dma_start3A_172 = tpu.memref_squeeze %dma_start3A_171 : memref<1x16x1024xf32, #tpu.memory_space<hbm>> -> memref<16x1024xf32, #tpu.memory_space<hbm>>
    %dma_start3A_173 = arith.constant 0 : i32
    %dma_start3A_174 = tpu.memref_slice %arg4[%dma_start3A_169, %multiple_of3A_168, %dma_start3A_173] : memref<4x8192x1024xf32, #tpu.memory_space<hbm>> -> memref<1x16x1024xf32, #tpu.memory_space<hbm>>
    %dma_start3A_175 = tpu.memref_squeeze %dma_start3A_174 : memref<1x16x1024xf32, #tpu.memory_space<hbm>> -> memref<16x1024xf32, #tpu.memory_space<hbm>>
    tpu.enqueue_dma source(%arg5 : memref<16x1024xf32, #tpu.memory_space<vmem>>) target(%dma_start3A_175 : memref<16x1024xf32, #tpu.memory_space<hbm>>) target_semaphore(%arg15 : memref<!tpu.dma_semaphore, #tpu.memory_space<semaphore_mem>>)
    %dma_wait3A_176 = arith.constant 1 : i32
    %dma_wait3A_177 = arith.constant 0 : i32
    %dma_wait3A_178 = tpu.memref_slice %arg4[%dma_wait3A_176, %multiple_of3A_96, %dma_wait3A_177] : memref<4x8192x1024xf32, #tpu.memory_space<hbm>> -> memref<1x16x1024xf32, #tpu.memory_space<hbm>>
    %dma_wait3A_179 = tpu.memref_squeeze %dma_wait3A_178 : memref<1x16x1024xf32, #tpu.memory_space<hbm>> -> memref<16x1024xf32, #tpu.memory_space<hbm>>
    %dma_wait3A_180 = arith.constant 0 : i32
    %dma_wait3A_181 = tpu.memref_slice %arg4[%dma_wait3A_176, %multiple_of3A_96, %dma_wait3A_180] : memref<4x8192x1024xf32, #tpu.memory_space<hbm>> -> memref<1x16x1024xf32, #tpu.memory_space<hbm>>
    %dma_wait3A_182 = tpu.memref_squeeze %dma_wait3A_181 : memref<1x16x1024xf32, #tpu.memory_space<hbm>> -> memref<16x1024xf32, #tpu.memory_space<hbm>>
    tpu.wait_dma2 semaphore(%arg16 : memref<!tpu.dma_semaphore, #tpu.memory_space<semaphore_mem>>) src(%arg6 : memref<16x1024xf32, #tpu.memory_space<vmem>>) dst(%dma_wait3A_182 : memref<16x1024xf32, #tpu.memory_space<hbm>>)
    %dma_wait3A_183 = arith.constant 2 : i32
    %dma_wait3A_184 = arith.constant 0 : i32
    %dma_wait3A_185 = tpu.memref_slice %arg4[%dma_wait3A_183, %multiple_of3A_142, %dma_wait3A_184] : memref<4x8192x1024xf32, #tpu.memory_space<hbm>> -> memref<1x16x1024xf32, #tpu.memory_space<hbm>>
    %dma_wait3A_186 = tpu.memref_squeeze %dma_wait3A_185 : memref<1x16x1024xf32, #tpu.memory_space<hbm>> -> memref<16x1024xf32, #tpu.memory_space<hbm>>
    %dma_wait3A_187 = arith.constant 0 : i32
    %dma_wait3A_188 = tpu.memref_slice %arg4[%dma_wait3A_183, %multiple_of3A_142, %dma_wait3A_187] : memref<4x8192x1024xf32, #tpu.memory_space<hbm>> -> memref<1x16x1024xf32, #tpu.memory_space<hbm>>
    %dma_wait3A_189 = tpu.memref_squeeze %dma_wait3A_188 : memref<1x16x1024xf32, #tpu.memory_space<hbm>> -> memref<16x1024xf32, #tpu.memory_space<hbm>>
    tpu.wait_dma2 semaphore(%arg17 : memref<!tpu.dma_semaphore, #tpu.memory_space<semaphore_mem>>) src(%arg7 : memref<16x1024xf32, #tpu.memory_space<vmem>>) dst(%dma_wait3A_189 : memref<16x1024xf32, #tpu.memory_space<hbm>>)
    %dma_wait3A_190 = arith.constant 3 : i32
    %dma_wait3A_191 = arith.constant 0 : i32
    %dma_wait3A_192 = tpu.memref_slice %arg4[%dma_wait3A_190, %multiple_of3A_168, %dma_wait3A_191] : memref<4x8192x1024xf32, #tpu.memory_space<hbm>> -> memref<1x16x1024xf32, #tpu.memory_space<hbm>>
    %dma_wait3A_193 = tpu.memref_squeeze %dma_wait3A_192 : memref<1x16x1024xf32, #tpu.memory_space<hbm>> -> memref<16x1024xf32, #tpu.memory_space<hbm>>
    %dma_wait3A_194 = arith.constant 0 : i32
    %dma_wait3A_195 = tpu.memref_slice %arg4[%dma_wait3A_190, %multiple_of3A_168, %dma_wait3A_194] : memref<4x8192x1024xf32, #tpu.memory_space<hbm>> -> memref<1x16x1024xf32, #tpu.memory_space<hbm>>
    %dma_wait3A_196 = tpu.memref_squeeze %dma_wait3A_195 : memref<1x16x1024xf32, #tpu.memory_space<hbm>> -> memref<16x1024xf32, #tpu.memory_space<hbm>>
    tpu.wait_dma2 semaphore(%arg15 : memref<!tpu.dma_semaphore, #tpu.memory_space<semaphore_mem>>) src(%arg5 : memref<16x1024xf32, #tpu.memory_space<vmem>>) dst(%dma_wait3A_196 : memref<16x1024xf32, #tpu.memory_space<hbm>>)
    return
  }
}

module attributes {stable_mosaic.version = 14 : i64} {
  func.func @_tc_body3(%arg0: i32, %arg1: i32, %arg2: memref<1x1920x1024xf32, #tpu.memory_space<vmem>>, %arg3: memref<1920x1024xf32, #tpu.memory_space<vmem>>, %arg4: memref<4x8192x1024xf32, #tpu.memory_space<any>>, %arg5: memref<1x1920x1024xf32, #tpu.memory_space<vmem>>) attributes {dimension_semantics = [#tpu.dimension_semantics<arbitrary>, #tpu.dimension_semantics<arbitrary>], iteration_bounds = array<i64: 4, 4>, scalar_prefetch = 0 : i64, scratch_operands = 0 : i64, tpu.core_type = #tpu.core_type<tc>, window_params = [{transform_indices = @transform_0, window_bounds = array<i64: 1, 1920, 1024>}, {transform_indices = @transform_1, window_bounds = array<i64: 1920, 1024>}, {}, {transform_indices = @transform_3, window_bounds = array<i64: 1, 1920, 1024>}]} {
    %get3A = arith.constant 0 : index
    %get3A_0 = arith.constant 0 : index
    %get3A_1 = arith.constant 0 : index
    %get3A_2 = vector.load %arg2[%get3A, %get3A_0, %get3A_1] : memref<1x1920x1024xf32, #tpu.memory_space<vmem>>, vector<1x1920x1024xf32>
    %get3A_3 = vector.shape_cast %get3A_2 : vector<1x1920x1024xf32> to vector<1920x1024xf32>
    %get3A_4 = arith.constant 0 : index
    %get3A_5 = arith.constant 0 : index
    %get3A_6 = vector.load %arg3[%get3A_4, %get3A_5] : memref<1920x1024xf32, #tpu.memory_space<vmem>>, vector<1920x1024xf32>
    %add3A = arith.addf %get3A_3, %get3A_6 : vector<1920x1024xf32>
    %swap3A = arith.constant 0 : index
    %swap3A_7 = arith.constant 0 : index
    %swap3A_8 = arith.constant 0 : index
    %swap3A_9 = vector.load %arg5[%swap3A, %swap3A_7, %swap3A_8] : memref<1x1920x1024xf32, #tpu.memory_space<vmem>>, vector<1x1920x1024xf32>
    %swap3A_10 = vector.shape_cast %swap3A_9 : vector<1x1920x1024xf32> to vector<1920x1024xf32>
    %swap3A_11 = vector.shape_cast %add3A : vector<1920x1024xf32> to vector<1x1920x1024xf32>
    tpu.vector_store %arg5[%swap3A, %swap3A_7, %swap3A_8], %swap3A_11 {strides = array<i32>} : memref<1x1920x1024xf32, #tpu.memory_space<vmem>>, vector<1x1920x1024xf32>,
    return
  }
  func.func @transform_0(%arg0: i32, %arg1: i32) -> (i32, i32, i32) {
    %c0_i32 = arith.constant 0 : i32
    %c0_i32_0 = arith.constant 0 : i32
    return %arg1, %arg0, %c0_i32 : i32, i32, i32
  }
  func.func @transform_1(%arg0: i32, %arg1: i32) -> (i32, i32) {
    %c0_i32 = arith.constant 0 : i32
    %c0_i32_0 = arith.constant 0 : i32
    return %arg0, %c0_i32 : i32, i32
  }
  func.func @transform_3(%arg0: i32, %arg1: i32) -> (i32, i32, i32) {
    %c0_i32 = arith.constant 0 : i32
    %c0_i32_0 = arith.constant 0 : i32
    return %arg1, %arg0, %c0_i32 : i32, i32, i32
  }
}

</mosaic_0001>

<sc_bundles>
// kernel: kernel.4.cloned.1.call-start
scs
__scs_entry_jumppad:
0x0: {  	(pc) =	sbr.rel $0x88, $3  }
0x1: {  	(tag) =	ssettag $0x0;
	lr =	simm.s32 $0x1  }
0x2: {  	[smem:$0x3F9F] =	sst lr;
	_ =	strace $0xD0000000  }
0x3: {  	_ = 	snop  }
0x4: {  	_ = 	snop  }
0x5: {  	_ = 	snop  }
0x6: {  	_ = 	snop  }
0x7: {  	_ = 	snop  }
__scs_overlays_trampoline_lowered:
0x8: {  	[smem:$0x3FAE] =	sst s0  }
0x9: {  	[smem:$0x3FAF] =	sst s1  }
0xa: {  	[smem:$0x3FB0] =	sst s2  }
0xb: {  	[smem:$0x3FB1] =	sst s3  }
0xc: {  	[smem:$0x3FB2] =	sst s4  }
0xd: {  	[smem:$0x3FB3] =	sst s5  }
0xe: {  	[smem:$0x3FB4] =	sst s6  }
0xf: {  	[smem:$0x3FB5] =	sst s7  }
0x10: {  	[smem:$0x3FB6] =	sst s8  }
0x11: {  	[smem:$0x3FB7] =	sst s9;
	s0 =	simm.s32 @!p0 $0x0  }
0x12: {  	s1 =	sld [smem:$0x3F9D];
	s0 =	simm.s32 @p0 $0x1  }
0x13: {  	[smem:$0x3FB8] =	sst s0;
	s0 =	simm.s32 @!p1 $0x0  }
0x14: {  	s2 =	sld [smem:$0x3F9C];
	s0 =	simm.s32 @p1 $0x1  }
0x15: {  	[smem:$0x3FB9] =	sst s0;
	s0 =	simm.s32 @!p2 $0x0  }
0x16: {  	s3 =	sld [smem:$0x3FDB];
	s0 =	simm.s32 @p2 $0x1  }
0x17: {  	s4 =	simm.s32 $0x1BF5;
	[smem:$0x3FBB] =	sst s0  }
0x18: {  	s0 =	sld [smem:$0x3F9E];
	_ =	swait.ge [sflag:s4], $0x0  }
0x19: {  	s7 =	sld [smem:$0x3F9F]  }
0x1a: {  	s8 =	sadd.s32 $0xFFFFE003, lr  }
0x1b: {  	s9 =	sadd.s32 $0xFFFFFEF7, lr;
	s5 =	simm.s32 $0xFFFFFFFF;
	p2 =	slt.u32 s8, $0xFFFFF086  }
0x1c: {  	p1 =	slt.u32 s9, $0xF7A;
	s5 =	simm.s32 @!p2 $0x0  }
0x1d: {  	s5 =	simm.s32 @p1 $0x1;
	p0 =	seq.s32 s7, s2  }
0x1e: {  	s7 =	smul.u32 @!p0 $0xF7A, s2;
	p2 =	seq.s32 @!p0 s5, $0x0  }
0x1f: {  	s9 =	smul.u32 $0xF7A, s1;
	s8 =	simm.s32 @!p0 $0x1BF5;
	p2 =	por !p2, p0  }
0x20: {  	[sflag:s8] =	ssyncset.s32 @!p0 $0xFFFFF086;
	s6 =	sadd.s32 @!p0 s3, s7;
	s7 =	simm.s32 @!p0 $0x108  }
0x21: {  	s3 =	sadd.s32 s3, s9;
	s6 =	sadd.s32 @!p0 $0x88, s6;
	s7 =	simm.s32 @p2 $0x1082  }
0x22: {  	[simem:s7], [sflag:s8] =	dma.local @!p0 [hbm:s6], $0xF7A  }
0x23: {  	s9 =	sor.u32 $0xD0000000, s2;
	s6 =	simm.s32 $0x108;
	_ =	swait.ge @!p0 [sflag:s8], $0x0  }
0x24: {  	s3 =	sadd.s32 $0x88, s3;
	s6 =	simm.s32 @!p1 $0x1082;
	[sflag:s4] =	ssyncset.s32 $0xFFFFF086  }
0x25: {  	[simem:s6], [sflag:s4] =	dma.local [hbm:s3], $0xF7A  }
0x26: {  	[smem:$0x3F9F] =	sst s1;
	(tag) =	ssettag s2;
	_ =	strace s9  }
0x27: {  	s1 =	sld [smem:$0x3FAF]  }
0x28: {  	s2 =	sld [smem:$0x3FB0]  }
0x29: {  	s4 =	sld [smem:$0x3FB2]  }
0x2a: {  	p0 =	seq.s32 s5, $0x0;
	s5 =	sld [smem:$0x3FB3]  }
0x2b: {  	s6 =	sld [smem:$0x3FB4]  }
0x2c: {  	s7 =	sld [smem:$0x3FB5]  }
0x2d: {  	s3 =	simm.s32 $0x108;
	s8 =	sld [smem:$0x3FB6]  }
0x2e: {  	s3 =	simm.s32 @!p0 $0x1082;
	s9 =	sld [smem:$0x3FB7]  }
0x2f: {  	lr =	sadd.s32 s0, s3;
	s0 =	sld [smem:$0x3FAE]  }
0x30: {  	s3 =	sld [smem:$0x3FB1]  }
0x31: {  	[smem:$0x3FBA] =	sst s10  }
0x32: {  	s10 =	sld [smem:$0x3FB8];
	_ =	sdelay $0x3  }
0x33: {  	p0 =	seq.s32 s10, $0x1;
	s10 =	sld [smem:$0x3FBA];
	_ =	sdelay $0x3  }
0x34: {  	[smem:$0x3FBA] =	sst s10  }
0x35: {  	s10 =	sld [smem:$0x3FB9];
	_ =	sdelay $0x3  }
0x36: {  	p1 =	seq.s32 s10, $0x1;
	s10 =	sld [smem:$0x3FBA];
	_ =	sdelay $0x3  }
0x37: {  	[smem:$0x3FBA] =	sst s10  }
0x38: {  	s10 =	sld [smem:$0x3FBB]  }
0x39: {  	_ = 	snop;
	(pc) =	sbr.ind lr, $3  }
0x3a: {  	_ = 	snop  }
0x3b: {  	_ = 	snop  }
0x3c: {  	p2 =	seq.s32 s10, $0x1;
	s10 =	sld [smem:$0x3FBA]  }
0x3d: {  	_ =	shalt  }
0x3e: {  	_ =	shalt  }
0x3f: {  	_ =	shalt  }
0x40: {  	_ =	shalt  }
0x41: {  	_ =	shalt  }
0x42: {  	_ =	shalt  }
0x43: {  	_ =	shalt  }
0x44: {  	_ =	shalt  }
0x45: {  	_ =	shalt  }
0x46: {  	_ =	shalt  }
0x47: {  	_ =	shalt  }
0x48: {  	_ =	shalt  }
0x49: {  	_ =	shalt  }
0x4a: {  	_ =	shalt  }
0x4b: {  	_ =	shalt  }
0x4c: {  	_ =	shalt  }
0x4d: {  	_ =	shalt  }
0x4e: {  	_ =	shalt  }
0x4f: {  	_ =	shalt  }
0x50: {  	_ =	shalt  }
0x51: {  	_ =	shalt  }
0x52: {  	_ =	shalt  }
0x53: {  	_ =	shalt  }
0x54: {  	_ =	shalt  }
0x55: {  	_ =	shalt  }
0x56: {  	_ =	shalt  }
0x57: {  	_ =	shalt  }
0x58: {  	_ =	shalt  }
0x59: {  	_ =	shalt  }
0x5a: {  	_ =	shalt  }
0x5b: {  	_ =	shalt  }
0x5c: {  	_ =	shalt  }
0x5d: {  	_ =	shalt  }
0x5e: {  	_ =	shalt  }
0x5f: {  	_ =	shalt  }
0x60: {  	_ =	shalt  }
0x61: {  	_ =	shalt  }
0x62: {  	_ =	shalt  }
0x63: {  	_ =	shalt  }
0x64: {  	_ =	shalt  }
0x65: {  	_ =	shalt  }
0x66: {  	_ =	shalt  }
0x67: {  	_ =	shalt  }
0x68: {  	_ =	shalt  }
0x69: {  	_ =	shalt  }
0x6a: {  	_ =	shalt  }
0x6b: {  	_ =	shalt  }
0x6c: {  	_ =	shalt  }
0x6d: {  	_ =	shalt  }
0x6e: {  	_ =	shalt  }
0x6f: {  	_ =	shalt  }
0x70: {  	_ =	shalt  }
0x71: {  	_ =	shalt  }
0x72: {  	_ =	shalt  }
0x73: {  	_ =	shalt  }
0x74: {  	_ =	shalt  }
0x75: {  	_ =	shalt  }
0x76: {  	_ =	shalt  }
0x77: {  	_ =	shalt  }
0x78: {  	_ =	shalt  }
0x79: {  	_ =	shalt  }
0x7a: {  	_ =	shalt  }
0x7b: {  	_ =	shalt  }
0x7c: {  	_ =	shalt  }
0x7d: {  	_ =	shalt  }
0x7e: {  	_ =	shalt  }
0x7f: {  	_ =	shalt  }
0x80: {  	_ =	shalt  }
0x81: {  	_ =	shalt  }
0x82: {  	_ =	shalt  }
0x83: {  	_ =	shalt  }
0x84: {  	_ =	shalt  }
0x85: {  	_ =	shalt  }
0x86: {  	_ =	shalt  }
0x87: {  	_ =	shalt  }
.Lfunc_end0:
.L_simem_size_0:
called_computation_lowered:
.L_overlay_start_0:
0x88: {  	s2 =	sld [smem:$0x3FD9]  }
0x89: {  	s3 =	sld [smem:$0x3FFE];
	_ =	sdelay $0x1  }
0x8a: {  	s1 =	srdreg.scid  }
0x8b: {  	s0 =	sand.u32 $0x1, s1  }
0x8c: {  	s18 =	sshll.u32 s0, $0xA;
	s2 =	sadd.s32 s3, s2  }
0x8d: {  	s2 =	sadd.s32 s2, s18  }
0x8e: {  	[smem:$0x3FC6] =	sst s2  }
0x8f: {  	_ = 	snop  }
0x90: {  	s2 =	sld [smem:$0x3FC9]  }
0x91: {  	s19 =	sld [smem:$0x3FC8]  }
0x92: {  	s4 =	sld [smem:$0x3FD0];
	(tm) =	ssettm $0x1  }
0x93: {  	s5 =	sld [smem:$0x3FFB];
	_ =	sdelay $0x3  }
0x94: {  	_ =	strace s5  }
0x95: {  	s5 =	sld [smem:$0x3FFC];
	_ =	sdelay $0x3  }
0x96: {  	_ =	strace s5  }
0x97: {  	s5 =	sld [smem:$0x3FFD];
	_ =	sdelay $0x3  }
0x98: {  	_ =	strace s5  }
0x99: {  	_ =	strace $0x8FFFFFFF  }
0x9a: {  	s20 =	sld [smem:$0x3FDB];
	_ =	sdelay $0x1  }
0x9b: {  	s6 =	simm.s32 $_scs_section_size  }
0x9c: {  	s7 =	simm.s32 $_size__tile_overlayer_lowered;
	s8 =	simm.s32 $_tile_overlayer_lowered  }
0x9d: {  	s23 =	simm.s32 $0x1BFF;
	s22 =	sshll.u32 s8, $0x1;
	s5 =	sadd.s32 s6, s20  }
0x9e: {  	s9 =	simm.s32 $0x0;
	s21 =	sshll.u32 s7, $0x1;
	s7 =	sadd.s32 s22, s5  }
0x9f: {  	[timem:s9], [sflag:s23] =	dma.local [hbm:s7], s21  }
0xa0: {  	_ =	swait.ge [sflag:s23], s21  }
0xa1: {  	s6 =	ssub.s32 $0x0, s21;
	[sflag:s23] =	ssyncset.done $0x0  }
0xa2: {  	[sflag:s23] =	ssyncadd.s32 s6;
	_ =	sdelay $0x1  }
0xa3: {  	s24 =	simm.s32 $0x1B8B  }
0xa4: {  	_ =	swait.ge [sflag:s24], $0x1  }
0xa5: {  	[sflag:s24] =	ssyncset.done $0x0  }
0xa6: {  	s25 =	simm.s32 $0x1B8E;
	[sflag:s24] =	ssyncadd.s32 $0xFFFFFFFF  }
0xa7: {  	s26 =	simm.s32 $execute0_lowered;
	[smem:$0x3FD2] =	sst s25  }
0xa8: {  	s6 =	sshll.u32 s26, $0x1;
	_ =	strace $0x80000046;
	[dreg:$0x1] =	wrdreg $0xFFFFFFFF  }
0xa9: {  	s28 =	simm.s32 $_size_execute0_lowered;
	s5 =	sadd.s32 s5, s6;
	[dreg:$0x0] =	wrdreg $0x0  }
0xaa: {  	s6 =	sshll.u32 s28, $0x1;
	[dreg:$0x2] =	wrdreg s5  }
0xab: {  	[dreg:$0x3] =	wrdreg s6  }
0xac: {  	[dreg:$0x4] =	wrdreg $0xC0  }
0xad: {  	_ =	task [dreg:s9], $0x5FFFF  }
0xae: {  	[dreg:$0x1] =	wrdreg $0xFFFFFFFF  }
0xaf: {  	[dreg:$0x0] =	wrdreg $0x60  }
0xb0: {  	[dreg:$0x2] =	wrdreg s2  }
0xb1: {  	[dreg:$0x3] =	wrdreg s19  }
0xb2: {  	[dreg:$0x4] =	wrdreg s4  }
0xb3: {  	[dreg:$0x5] =	wrdreg $0x9  }
0xb4: {  	_ =	task.clear_ibuf [dreg:s9], $0x6FFFF;
	_ =	strace $0x90000046  }
0xb5: {  	s29 =	simm.s32 $0x9;
	_ =	strace $0x80000048  }
0xb6: {  	_ =	swait.ge [sflag:s29], $0x1  }
0xb7: {  	[sflag:s29] =	ssyncadd.s32 $0xFFFFFFFF  }
0xb8: {  	_ =	strace $0x90000048  }
0xb9: {  	_ =	sfence  }
0xba: {  	s30 =	sld [smem:$0x0];
	_ =	sdelay $0x2  }
0xbb: {  	s31 =	sshll.u32 s1, $0xD;
	s1 =	sshrl.u32 s1, $0x2  }
0xbc: {  	s3 =	sand.u32 $0x4000, s31;
	s1 =	sadd.s32 s1, s30  }
0xbd: {  	s0 =	sor.u32 s3, s0;
	s1 =	sshll.u32 s1, $0x11  }
0xbe: {  	s0 =	sor.u32 s1, s0  }
0xbf: {  	s0 =	sadd.s32 $0x8F2B, s0  }
0xc0: {  	[sflag:s0] =	ssyncadd.remote.s32 $0x1  }
0xc1: {  	_ =	sfence.sel $0xFFFF  }
0xc2: {  	[dreg:$0x0] =	wrdreg $0xFFFFFFFF;
	(pc) =	sbr.abs _section_cstart, $3  }
0xc3: {  	[dreg:$0x1] =	wrdreg $0xFFFFFFFF  }
0xc4: {  	_ =	task.clear_ibuf [dreg:s9], $0x2FFFF;
	_ =	strace $0x9FFFFFFF  }
0xc5: {  	(tm) =	ssettm $0x7FFFFFFF  }
tec
execute0_lowered:
.L_overlay_start_1:
0x0: {  	(tag) =	ssettag $0x1  }
0x1: {  	s9 =	rddreg [dreg:$0x0]  }
0x2: {  	s4 =	rddreg [dreg:$0x1]  }
0x3: {  	s11 =	rddreg [dreg:$0x2]  }
0x4: {  	s0 =	rddreg [dreg:$0x3];
	s3 =	srdreg.scid  }
0x5: {  	s2 =	simm.s32 $0x0;
	s1 =	stileid.u32;
	s15 =	simm.s32 $0x4  }
0x6: {  	s16 =	simm.s32 $0x1;
	s17 =	simm.s32 $0x8000;
	s18 =	simm.s32 $0x2  }
0x7: {  	s19 =	simm.s32 $0x5;
	s20 =	simm.s32 $0x3;
	s21 =	simm.s32 $0x6  }
0x8: {  	s22 =	simm.s32 $0x7;
	s23 =	simm.s32 $0x0;
	s3 =	sand.u32 $0x1, s3  }
0x9: {  	s6 =	sshll.u32 s1, $0xC;
	s5 =	ssub.s32 $0x2, s3;
	s3 =	sshll.u32 s3, $0xB  }
0xa: {  	[smem:$0x7FF] =	sst s2;
	s7 =	sshrl.u32 s5, $0x1;
	s10 =	sor.u32 s3, s6  }
0xb: {  	_ =	strace $0x80000047;
	s12 =	ssub.s32 s5, s7;
	s6 =	sor.u32 $0xF0000, s10  }
0xc: {  	s8 =	sor.u32 $0x1F0000, s10;
	s13 =	sor.u32 $0x2F0000, s10;
	s14 =	sor.u32 $0x3F0000, s10  }
0xd: {  	s3 =	sadd.s32 s9, s6;
	s4 =	sadd.s32 s4, s6;
	s5 =	sadd.s32 s9, s8  }
0xe: {  	s6 =	sadd.s32 s11, s6;
	s7 =	sadd.s32 s9, s13;
	s8 =	sadd.s32 s11, s8  }
0xf: {  	s9 =	sadd.s32 s9, s14;
	s10 =	sadd.s32 s11, s13;
	s11 =	sadd.s32 s11, s14  }
0x10: {  	s12 =	smax.u32 s12, $0x1;
	s13 =	simm.s32 $0xC000;
	s14 =	simm.s32 $0x4000  }
.LBB2_1:
0x11: {  	[tilespmem:s2], [sflag:$0x1] =	stream.linear.gather [hbm4b:s3+s2], $0x4000, $0x38;
	[tilespmem:$0x10000] =	vst v63  }
0x12: {  	_ = 	snop  }
0x13: {  	[tilespmem:s13], [sflag:$0x4] =	stream.linear.gather [hbm4b:s4+s2], $0x4000, $0x38;
	[tilespmem:$0x10000] =	vst v63  }
0x14: {  	_ = 	snop  }
0x15: {  	[tilespmem:s14], [sflag:$0x2] =	stream.linear.gather [hbm4b:s5+s2], $0x4000, $0x38;
	[tilespmem:$0x10000] =	vst v63  }
0x16: {  	_ =	swait.ge [sflag:s15], $0x4000  }
0x17: {  	[sflag:s15] =	ssyncset.done $0x0  }
0x18: {  	[sflag:s15] =	ssyncadd.s32 $0xFFFFC000  }
0x19: {  	_ =	swait.ge [sflag:s16], $0x4000  }
0x1a: {  	s24 =	simm.s32 $0x0;
	[sflag:s16] =	ssyncset.done $0x0  }
0x1b: {  	s25 =	simm.s32 $0x0;
	s26 =	simm.s32 $0x0;
	[sflag:s16] =	ssyncadd.s32 $0xFFFFC000  }
.LBB2_2:
0x1c: {  	s28 =	sshll.u32 s25, $0x2;
	s29 =	sand.u32 $0x7, s24  }
0x1d: {  	s28 =	sand.u32 $0xFFFF8000, s28;
	s29 =	sshll.u32 s29, $0x9  }
0x1e: {  	s28 =	sor.u32 s29, s28  }
0x1f: {  	s29 =	sshrl.u32 s28, $0x2  }
0x20: {  	s28 =	sor.u32 $0x40, s29  }
0x21: {  	s29 =	sadd.s32 $0xC040, s29;
	v1 =	vld [tilespmem:s28+$0x30]  }
0x22: {  	v2 =	vld [tilespmem:s29+$0x30]  }
0x23: {  	v0 =	vld [tilespmem:s29+$0xFFFFFFC0]  }
0x24: {  	v3 =	vld [tilespmem:s28+$0xFFFFFFD0]  }
0x25: {  	v4 =	vld [tilespmem:s29+$0xFFFFFFD0]  }
0x26: {  	v5 =	vld [tilespmem:s28+$0xFFFFFFE0]  }
0x27: {  	v6 =	vld [tilespmem:s29+$0xFFFFFFE0]  }
0x28: {  	v7 =	vld [tilespmem:s28+$0xFFFFFFF0]  }
0x29: {  	v8 =	vld [tilespmem:s29+$0xFFFFFFF0]  }
0x2a: {  	v9 =	vld [tilespmem:s28+$0x0]  }
0x2b: {  	v10 =	vld [tilespmem:s29+$0x0];
	v2 =	vadd.f32 v2, v1  }
0x2c: {  	v4 =	vadd.f32 v4, v3;
	v1 =	vld [tilespmem:s28+$0x10]  }
0x2d: {  	v5 =	vadd.f32 v6, v5;
	v3 =	vld [tilespmem:s29+$0x10];
	[tilespmem:s28+$0x30] =	vst v2  }
0x2e: {  	v6 =	vadd.f32 v8, v7;
	[tilespmem:s28+$0xFFFFFFD0] =	vst v4;
	v2 =	vld [tilespmem:s28+$0x20]  }
0x2f: {  	[tilespmem:s28+$0xFFFFFFE0] =	vst v5;
	v5 =	vld [tilespmem:s29+$0x20]  }
0x30: {  	s30 =	simm.s32 $0x0;
	s31 =	sadd.s32 $0x400, s28;
	v4 =	vld [tilespmem:s28+$0xFFFFFFC0];
	[tilespmem:s28+$0xFFFFFFF0] =	vst v6;
	v6 =	vadd.f32 v10, v9  }
.LBB2_3:
0x31: {  	v7 =	vld [tilespmem:s31+$0x30];
	s29 =	sadd.s32 $0x400, s29  }
0x32: {  	s30 =	sadd.s32 $0x80, s30;
	v8 =	vld [tilespmem:s29+$0x30];
	[tilespmem:s28+$0x0] =	vst v6;
	v1 =	vadd.f32 v3, v1  }
0x33: {  	p0 =	slt.u32 s30, $0x380;
	v3 =	vld [tilespmem:s29+$0xFFFFFFC0]  }
0x34: {  	v6 =	vld [tilespmem:s31+$0xFFFFFFD0];
	[tilespmem:s28+$0x10] =	vst v1;
	v1 =	vadd.f32 v5, v2  }
0x35: {  	v2 =	vld [tilespmem:s29+$0xFFFFFFD0];
	v9 =	vadd.f32 v0, v4  }
0x36: {  	v4 =	vld [tilespmem:s31+$0xFFFFFFE0];
	[tilespmem:s28+$0x20] =	vst v1  }
0x37: {  	v1 =	vld [tilespmem:s29+$0xFFFFFFE0];
	v5 =	vadd.f32 v8, v7;
	[tilespmem:s28+$0xFFFFFFC0] =	vst v9;
	s28 =	smov.u32 s31  }
0x38: {  	v7 =	vld [tilespmem:s31+$0xFFFFFFF0];
	v0 =	vmov v3  }
0x39: {  	v8 =	vld [tilespmem:s29+$0xFFFFFFF0];
	[tilespmem:s31+$0x30] =	vst v5  }
0x3a: {  	v2 =	vadd.f32 v2, v6;
	v6 =	vld [tilespmem:s31+$0x0]  }
0x3b: {  	v9 =	vld [tilespmem:s29+$0x0]  }
.Ltmp0:
0x3c: {  	[tilespmem:s31+$0xFFFFFFD0] =	vst v2;
	v2 =	vadd.f32 v1, v4;
	v1 =	vld [tilespmem:s31+$0x10];
	(pc) =	sbr.rel @p0 .LBB2_3-.Ltmp0, $4  }
0x3d: {  	v3 =	vld [tilespmem:s29+$0x10]  }
0x3e: {  	[tilespmem:s31+$0xFFFFFFE0] =	vst v2;
	v7 =	vadd.f32 v8, v7;
	v2 =	vld [tilespmem:s31+$0x20]  }
0x3f: {  	v5 =	vld [tilespmem:s29+$0x20]  }
0x40: {  	s31 =	sadd.s32 $0x400, s31;
	v4 =	vld [tilespmem:s28+$0xFFFFFFC0];
	[tilespmem:s28+$0xFFFFFFF0] =	vst v7;
	v6 =	vadd.f32 v9, v6  }
0x41: {  	s26 =	sadd.s32 $0x1, s26  }
0x42: {  	p0 =	sne.s32 s26, $0x10  }
.Ltmp1:
0x43: {  	v1 =	vadd.f32 v3, v1;
	(pc) =	sbr.rel @p0 .LBB2_2-.Ltmp1, $4  }
0x44: {  	[tilespmem:s28+$0x0] =	vst v6;
	v2 =	vadd.f32 v5, v2  }
0x45: {  	[tilespmem:s28+$0x10] =	vst v1;
	v0 =	vadd.f32 v0, v4  }
0x46: {  	[tilespmem:s28+$0x20] =	vst v2  }
0x47: {  	s25 =	sadd.s32 $0x400, s25;
	s24 =	sadd.s32 $0x1, s24;
	[tilespmem:s28+$0xFFFFFFC0] =	vst v0  }
0x48: {  	s24 =	simm.s32 $0x0  }
0x49: {  	[hbm4b:s6+s24] =	stream.linear.scatter [tilespmem:s24], [sflag:$0x5], $0x4000, $0x38;
	[tilespmem:$0x10000] =	vst v63  }
0x4a: {  	_ = 	snop  }
0x4b: {  	[tilespmem:s17], [sflag:$0x3] =	stream.linear.gather [hbm4b:s7+s24], $0x4000, $0x38;
	[tilespmem:$0x10000] =	vst v63  }
0x4c: {  	_ =	swait.ge [sflag:s18], $0x4000  }
0x4d: {  	[sflag:s18] =	ssyncset.done $0x0  }
0x4e: {  	s25 =	simm.s32 $0x0;
	s26 =	simm.s32 $0x0;
	[sflag:s18] =	ssyncadd.s32 $0xFFFFC000  }
.LBB2_6:
0x4f: {  	s28 =	sshll.u32 s25, $0x2;
	s29 =	sand.u32 $0x7, s24  }
0x50: {  	s28 =	sand.u32 $0xFFFF8000, s28;
	s29 =	sshll.u32 s29, $0x9  }
0x51: {  	s28 =	sor.u32 s29, s28  }
0x52: {  	s29 =	sshrl.u32 s28, $0x2  }
0x53: {  	s28 =	sadd.s32 $0x4040, s29  }
0x54: {  	s29 =	sadd.s32 $0xC040, s29;
	v1 =	vld [tilespmem:s28+$0x30]  }
0x55: {  	v2 =	vld [tilespmem:s29+$0x30]  }
0x56: {  	v0 =	vld [tilespmem:s29+$0xFFFFFFC0]  }
0x57: {  	v3 =	vld [tilespmem:s28+$0xFFFFFFD0]  }
0x58: {  	v4 =	vld [tilespmem:s29+$0xFFFFFFD0]  }
0x59: {  	v5 =	vld [tilespmem:s28+$0xFFFFFFE0]  }
0x5a: {  	v6 =	vld [tilespmem:s29+$0xFFFFFFE0]  }
0x5b: {  	v7 =	vld [tilespmem:s28+$0xFFFFFFF0]  }
0x5c: {  	v8 =	vld [tilespmem:s29+$0xFFFFFFF0]  }
0x5d: {  	v9 =	vld [tilespmem:s28+$0x0]  }
0x5e: {  	v10 =	vld [tilespmem:s29+$0x0];
	v2 =	vadd.f32 v2, v1  }
0x5f: {  	v4 =	vadd.f32 v4, v3;
	v1 =	vld [tilespmem:s28+$0x10]  }
0x60: {  	v5 =	vadd.f32 v6, v5;
	v3 =	vld [tilespmem:s29+$0x10];
	[tilespmem:s28+$0x30] =	vst v2  }
0x61: {  	v6 =	vadd.f32 v8, v7;
	[tilespmem:s28+$0xFFFFFFD0] =	vst v4;
	v2 =	vld [tilespmem:s28+$0x20]  }
0x62: {  	[tilespmem:s28+$0xFFFFFFE0] =	vst v5;
	v5 =	vld [tilespmem:s29+$0x20]  }
0x63: {  	s30 =	simm.s32 $0x0;
	s31 =	sadd.s32 $0x400, s28;
	v4 =	vld [tilespmem:s28+$0xFFFFFFC0];
	[tilespmem:s28+$0xFFFFFFF0] =	vst v6;
	v6 =	vadd.f32 v10, v9  }
.LBB2_7:
0x64: {  	v7 =	vld [tilespmem:s31+$0x30];
	s29 =	sadd.s32 $0x400, s29  }
0x65: {  	s30 =	sadd.s32 $0x80, s30;
	v8 =	vld [tilespmem:s29+$0x30];
	[tilespmem:s28+$0x0] =	vst v6;
	v1 =	vadd.f32 v3, v1  }
0x66: {  	p0 =	slt.u32 s30, $0x380;
	v3 =	vld [tilespmem:s29+$0xFFFFFFC0]  }
0x67: {  	v6 =	vld [tilespmem:s31+$0xFFFFFFD0];
	[tilespmem:s28+$0x10] =	vst v1;
	v1 =	vadd.f32 v5, v2  }
0x68: {  	v2 =	vld [tilespmem:s29+$0xFFFFFFD0];
	v9 =	vadd.f32 v0, v4  }
0x69: {  	v4 =	vld [tilespmem:s31+$0xFFFFFFE0];
	[tilespmem:s28+$0x20] =	vst v1  }
0x6a: {  	v1 =	vld [tilespmem:s29+$0xFFFFFFE0];
	v5 =	vadd.f32 v8, v7;
	[tilespmem:s28+$0xFFFFFFC0] =	vst v9;
	s28 =	smov.u32 s31  }
0x6b: {  	v7 =	vld [tilespmem:s31+$0xFFFFFFF0];
	v0 =	vmov v3  }
0x6c: {  	v8 =	vld [tilespmem:s29+$0xFFFFFFF0];
	[tilespmem:s31+$0x30] =	vst v5  }
0x6d: {  	v2 =	vadd.f32 v2, v6;
	v6 =	vld [tilespmem:s31+$0x0]  }
0x6e: {  	v9 =	vld [tilespmem:s29+$0x0]  }
.Ltmp2:
0x6f: {  	[tilespmem:s31+$0xFFFFFFD0] =	vst v2;
	v2 =	vadd.f32 v1, v4;
	v1 =	vld [tilespmem:s31+$0x10];
	(pc) =	sbr.rel @p0 .LBB2_7-.Ltmp2, $4  }
0x70: {  	v3 =	vld [tilespmem:s29+$0x10]  }
0x71: {  	[tilespmem:s31+$0xFFFFFFE0] =	vst v2;
	v7 =	vadd.f32 v8, v7;
	v2 =	vld [tilespmem:s31+$0x20]  }
0x72: {  	v5 =	vld [tilespmem:s29+$0x20]  }
0x73: {  	s31 =	sadd.s32 $0x400, s31;
	v4 =	vld [tilespmem:s28+$0xFFFFFFC0];
	[tilespmem:s28+$0xFFFFFFF0] =	vst v7;
	v6 =	vadd.f32 v9, v6  }
0x74: {  	s26 =	sadd.s32 $0x1, s26  }
0x75: {  	p0 =	sne.s32 s26, $0x10  }
.Ltmp3:
0x76: {  	v1 =	vadd.f32 v3, v1;
	(pc) =	sbr.rel @p0 .LBB2_6-.Ltmp3, $4  }
0x77: {  	[tilespmem:s28+$0x0] =	vst v6;
	v2 =	vadd.f32 v5, v2  }
0x78: {  	[tilespmem:s28+$0x10] =	vst v1;
	v0 =	vadd.f32 v0, v4  }
0x79: {  	[tilespmem:s28+$0x20] =	vst v2  }
0x7a: {  	s25 =	sadd.s32 $0x400, s25;
	s24 =	sadd.s32 $0x1, s24;
	[tilespmem:s28+$0xFFFFFFC0] =	vst v0  }
0x7b: {  	s24 =	simm.s32 $0x0  }
0x7c: {  	[hbm4b:s8+s24] =	stream.linear.scatter [tilespmem:s14], [sflag:$0x6], $0x4000, $0x38;
	[tilespmem:$0x10000] =	vst v63  }
0x7d: {  	_ =	swait.ge [sflag:s19], $0x4000  }
0x7e: {  	[sflag:s19] =	ssyncset.done $0x0  }
0x7f: {  	[sflag:s19] =	ssyncadd.s32 $0xFFFFC000  }
0x80: {  	[tilespmem:s24], [sflag:$0x1] =	stream.linear.gather [hbm4b:s9+s24], $0x4000, $0x38;
	[tilespmem:$0x10000] =	vst v63  }
0x81: {  	_ =	swait.ge [sflag:s20], $0x4000  }
0x82: {  	[sflag:s20] =	ssyncset.done $0x0  }
0x83: {  	s25 =	simm.s32 $0x0;
	s26 =	simm.s32 $0x0;
	[sflag:s20] =	ssyncadd.s32 $0xFFFFC000  }
.LBB2_10:
0x84: {  	s28 =	sshll.u32 s25, $0x2;
	s29 =	sand.u32 $0x7, s24  }
0x85: {  	s28 =	sand.u32 $0xFFFF8000, s28;
	s29 =	sshll.u32 s29, $0x9  }
0x86: {  	s28 =	sor.u32 s29, s28  }
0x87: {  	s29 =	sshrl.u32 s28, $0x2  }
0x88: {  	s28 =	sadd.s32 $0x8040, s29  }
0x89: {  	s29 =	sadd.s32 $0xC040, s29;
	v1 =	vld [tilespmem:s28+$0x30]  }
0x8a: {  	v2 =	vld [tilespmem:s29+$0x30]  }
0x8b: {  	v0 =	vld [tilespmem:s29+$0xFFFFFFC0]  }
0x8c: {  	v3 =	vld [tilespmem:s28+$0xFFFFFFD0]  }
0x8d: {  	v4 =	vld [tilespmem:s29+$0xFFFFFFD0]  }
0x8e: {  	v5 =	vld [tilespmem:s28+$0xFFFFFFE0]  }
0x8f: {  	v6 =	vld [tilespmem:s29+$0xFFFFFFE0]  }
0x90: {  	v7 =	vld [tilespmem:s28+$0xFFFFFFF0]  }
0x91: {  	v8 =	vld [tilespmem:s29+$0xFFFFFFF0]  }
0x92: {  	v9 =	vld [tilespmem:s28+$0x0]  }
0x93: {  	v10 =	vld [tilespmem:s29+$0x0];
	v2 =	vadd.f32 v2, v1  }
0x94: {  	v4 =	vadd.f32 v4, v3;
	v1 =	vld [tilespmem:s28+$0x10]  }
0x95: {  	v5 =	vadd.f32 v6, v5;
	v3 =	vld [tilespmem:s29+$0x10];
	[tilespmem:s28+$0x30] =	vst v2  }
0x96: {  	v6 =	vadd.f32 v8, v7;
	[tilespmem:s28+$0xFFFFFFD0] =	vst v4;
	v2 =	vld [tilespmem:s28+$0x20]  }
0x97: {  	[tilespmem:s28+$0xFFFFFFE0] =	vst v5;
	v5 =	vld [tilespmem:s29+$0x20]  }
0x98: {  	s30 =	simm.s32 $0x0;
	s31 =	sadd.s32 $0x400, s28;
	v4 =	vld [tilespmem:s28+$0xFFFFFFC0];
	[tilespmem:s28+$0xFFFFFFF0] =	vst v6;
	v6 =	vadd.f32 v10, v9  }
.LBB2_11:
0x99: {  	v7 =	vld [tilespmem:s31+$0x30];
	s29 =	sadd.s32 $0x400, s29  }
0x9a: {  	s30 =	sadd.s32 $0x80, s30;
	v8 =	vld [tilespmem:s29+$0x30];
	[tilespmem:s28+$0x0] =	vst v6;
	v1 =	vadd.f32 v3, v1  }
0x9b: {  	p0 =	slt.u32 s30, $0x380;
	v3 =	vld [tilespmem:s29+$0xFFFFFFC0]  }
0x9c: {  	v6 =	vld [tilespmem:s31+$0xFFFFFFD0];
	[tilespmem:s28+$0x10] =	vst v1;
	v1 =	vadd.f32 v5, v2  }
0x9d: {  	v2 =	vld [tilespmem:s29+$0xFFFFFFD0];
	v9 =	vadd.f32 v0, v4  }
0x9e: {  	v4 =	vld [tilespmem:s31+$0xFFFFFFE0];
	[tilespmem:s28+$0x20] =	vst v1  }
0x9f: {  	v1 =	vld [tilespmem:s29+$0xFFFFFFE0];
	v5 =	vadd.f32 v8, v7;
	[tilespmem:s28+$0xFFFFFFC0] =	vst v9;
	s28 =	smov.u32 s31  }
0xa0: {  	v7 =	vld [tilespmem:s31+$0xFFFFFFF0];
	v0 =	vmov v3  }
0xa1: {  	v8 =	vld [tilespmem:s29+$0xFFFFFFF0];
	[tilespmem:s31+$0x30] =	vst v5  }
0xa2: {  	v2 =	vadd.f32 v2, v6;
	v6 =	vld [tilespmem:s31+$0x0]  }
0xa3: {  	v9 =	vld [tilespmem:s29+$0x0]  }
.Ltmp4:
0xa4: {  	[tilespmem:s31+$0xFFFFFFD0] =	vst v2;
	v2 =	vadd.f32 v1, v4;
	v1 =	vld [tilespmem:s31+$0x10];
	(pc) =	sbr.rel @p0 .LBB2_11-.Ltmp4, $4  }
0xa5: {  	v3 =	vld [tilespmem:s29+$0x10]  }
0xa6: {  	[tilespmem:s31+$0xFFFFFFE0] =	vst v2;
	v7 =	vadd.f32 v8, v7;
	v2 =	vld [tilespmem:s31+$0x20]  }
0xa7: {  	v5 =	vld [tilespmem:s29+$0x20]  }
0xa8: {  	s31 =	sadd.s32 $0x400, s31;
	v4 =	vld [tilespmem:s28+$0xFFFFFFC0];
	[tilespmem:s28+$0xFFFFFFF0] =	vst v7;
	v6 =	vadd.f32 v9, v6  }
0xa9: {  	s26 =	sadd.s32 $0x1, s26  }
0xaa: {  	p0 =	sne.s32 s26, $0x10  }
.Ltmp5:
0xab: {  	v1 =	vadd.f32 v3, v1;
	(pc) =	sbr.rel @p0 .LBB2_10-.Ltmp5, $4  }
0xac: {  	[tilespmem:s28+$0x0] =	vst v6;
	v2 =	vadd.f32 v5, v2  }
0xad: {  	[tilespmem:s28+$0x10] =	vst v1;
	v0 =	vadd.f32 v0, v4  }
0xae: {  	[tilespmem:s28+$0x20] =	vst v2  }
0xaf: {  	s25 =	sadd.s32 $0x400, s25;
	s24 =	sadd.s32 $0x1, s24;
	[tilespmem:s28+$0xFFFFFFC0] =	vst v0  }
0xb0: {  	s24 =	simm.s32 $0x0  }
0xb1: {  	[hbm4b:s10+s24] =	stream.linear.scatter [tilespmem:s17], [sflag:$0x7], $0x4000, $0x38;
	[tilespmem:$0x10000] =	vst v63  }
0xb2: {  	_ =	swait.ge [sflag:s16], $0x4000  }
0xb3: {  	[sflag:s16] =	ssyncset.done $0x0  }
0xb4: {  	s25 =	simm.s32 $0x0;
	s26 =	simm.s32 $0x0;
	[sflag:s16] =	ssyncadd.s32 $0xFFFFC000  }
.LBB2_14:
0xb5: {  	s28 =	sshll.u32 s25, $0x2;
	s29 =	sand.u32 $0x7, s24  }
0xb6: {  	s28 =	sand.u32 $0xFFFF8000, s28;
	s29 =	sshll.u32 s29, $0x9  }
0xb7: {  	s28 =	sor.u32 s29, s28  }
0xb8: {  	s29 =	sshrl.u32 s28, $0x2  }
0xb9: {  	s28 =	sor.u32 $0x40, s29  }
0xba: {  	s29 =	sadd.s32 $0xC040, s29;
	v1 =	vld [tilespmem:s28+$0x30]  }
0xbb: {  	v2 =	vld [tilespmem:s29+$0x30]  }
0xbc: {  	v0 =	vld [tilespmem:s29+$0xFFFFFFC0]  }
0xbd: {  	v3 =	vld [tilespmem:s28+$0xFFFFFFD0]  }
0xbe: {  	v4 =	vld [tilespmem:s29+$0xFFFFFFD0]  }
0xbf: {  	v5 =	vld [tilespmem:s28+$0xFFFFFFE0]  }
0xc0: {  	v6 =	vld [tilespmem:s29+$0xFFFFFFE0]  }
0xc1: {  	v7 =	vld [tilespmem:s28+$0xFFFFFFF0]  }
0xc2: {  	v8 =	vld [tilespmem:s29+$0xFFFFFFF0]  }
0xc3: {  	v9 =	vld [tilespmem:s28+$0x0]  }
0xc4: {  	v10 =	vld [tilespmem:s29+$0x0];
	v2 =	vadd.f32 v2, v1  }
0xc5: {  	v4 =	vadd.f32 v4, v3;
	v1 =	vld [tilespmem:s28+$0x10]  }
0xc6: {  	v5 =	vadd.f32 v6, v5;
	v3 =	vld [tilespmem:s29+$0x10];
	[tilespmem:s28+$0x30] =	vst v2  }
0xc7: {  	v6 =	vadd.f32 v8, v7;
	[tilespmem:s28+$0xFFFFFFD0] =	vst v4;
	v2 =	vld [tilespmem:s28+$0x20]  }
0xc8: {  	[tilespmem:s28+$0xFFFFFFE0] =	vst v5;
	v5 =	vld [tilespmem:s29+$0x20]  }
0xc9: {  	s30 =	simm.s32 $0x0;
	s31 =	sadd.s32 $0x400, s28;
	v4 =	vld [tilespmem:s28+$0xFFFFFFC0];
	[tilespmem:s28+$0xFFFFFFF0] =	vst v6;
	v6 =	vadd.f32 v10, v9  }
.LBB2_15:
0xca: {  	v7 =	vld [tilespmem:s31+$0x30];
	s29 =	sadd.s32 $0x400, s29  }
0xcb: {  	s30 =	sadd.s32 $0x80, s30;
	v8 =	vld [tilespmem:s29+$0x30];
	[tilespmem:s28+$0x0] =	vst v6;
	v1 =	vadd.f32 v3, v1  }
0xcc: {  	p0 =	slt.u32 s30, $0x380;
	v3 =	vld [tilespmem:s29+$0xFFFFFFC0]  }
0xcd: {  	v6 =	vld [tilespmem:s31+$0xFFFFFFD0];
	[tilespmem:s28+$0x10] =	vst v1;
	v1 =	vadd.f32 v5, v2  }
0xce: {  	v2 =	vld [tilespmem:s29+$0xFFFFFFD0];
	v9 =	vadd.f32 v0, v4  }
0xcf: {  	v4 =	vld [tilespmem:s31+$0xFFFFFFE0];
	[tilespmem:s28+$0x20] =	vst v1  }
0xd0: {  	v1 =	vld [tilespmem:s29+$0xFFFFFFE0];
	v5 =	vadd.f32 v8, v7;
	[tilespmem:s28+$0xFFFFFFC0] =	vst v9;
	s28 =	smov.u32 s31  }
0xd1: {  	v7 =	vld [tilespmem:s31+$0xFFFFFFF0];
	v0 =	vmov v3  }
0xd2: {  	v8 =	vld [tilespmem:s29+$0xFFFFFFF0];
	[tilespmem:s31+$0x30] =	vst v5  }
0xd3: {  	v2 =	vadd.f32 v2, v6;
	v6 =	vld [tilespmem:s31+$0x0]  }
0xd4: {  	v9 =	vld [tilespmem:s29+$0x0]  }
.Ltmp6:
0xd5: {  	[tilespmem:s31+$0xFFFFFFD0] =	vst v2;
	v2 =	vadd.f32 v1, v4;
	v1 =	vld [tilespmem:s31+$0x10];
	(pc) =	sbr.rel @p0 .LBB2_15-.Ltmp6, $4  }
0xd6: {  	v3 =	vld [tilespmem:s29+$0x10]  }
0xd7: {  	[tilespmem:s31+$0xFFFFFFE0] =	vst v2;
	v7 =	vadd.f32 v8, v7;
	v2 =	vld [tilespmem:s31+$0x20]  }
0xd8: {  	v5 =	vld [tilespmem:s29+$0x20]  }
0xd9: {  	s31 =	sadd.s32 $0x400, s31;
	v4 =	vld [tilespmem:s28+$0xFFFFFFC0];
	[tilespmem:s28+$0xFFFFFFF0] =	vst v7;
	v6 =	vadd.f32 v9, v6  }
0xda: {  	s26 =	sadd.s32 $0x1, s26  }
0xdb: {  	p0 =	sne.s32 s26, $0x10  }
.Ltmp7:
0xdc: {  	v1 =	vadd.f32 v3, v1;
	(pc) =	sbr.rel @p0 .LBB2_14-.Ltmp7, $4  }
0xdd: {  	[tilespmem:s28+$0x0] =	vst v6;
	v2 =	vadd.f32 v5, v2  }
0xde: {  	[tilespmem:s28+$0x10] =	vst v1;
	v0 =	vadd.f32 v0, v4  }
0xdf: {  	[tilespmem:s28+$0x20] =	vst v2  }
0xe0: {  	s25 =	sadd.s32 $0x400, s25;
	s24 =	sadd.s32 $0x1, s24;
	[tilespmem:s28+$0xFFFFFFC0] =	vst v0  }
0xe1: {  	[hbm4b:s11+s2] =	stream.linear.scatter [tilespmem:s2], [sflag:$0x5], $0x4000, $0x38;
	[tilespmem:$0x10000] =	vst v63  }
0xe2: {  	_ =	swait.ge [sflag:s21], $0x4000  }
0xe3: {  	[sflag:s21] =	ssyncset.done $0x0  }
0xe4: {  	s23 =	sadd.s32 $0x1, s23;
	[sflag:s21] =	ssyncadd.s32 $0xFFFFC000  }
0xe5: {  	p0 =	sne.s32 s23, s12;
	_ =	swait.ge [sflag:s22], $0x4000  }
.Ltmp8:
0xe6: {  	[sflag:s22] =	ssyncset.done $0x0;
	(pc) =	sbr.rel @p0 .LBB2_1-.Ltmp8, $4  }
0xe7: {  	[sflag:s22] =	ssyncadd.s32 $0xFFFFC000  }
0xe8: {  	_ =	swait.ge [sflag:s19], $0x4000  }
0xe9: {  	[sflag:s19] =	ssyncset.done $0x0  }
0xea: {  	[sflag:s19] =	ssyncadd.s32 $0xFFFFC000  }
0xeb: {  	_ =	sfence.sel $0x180000  }
0xec: {  	[bflag:$0x0] =	sbarrier.arrive $0xFFFF  }
0xed: {  	p0 =	sne.s32 s1, $0x0;
	_ =	strace $0x90000047  }
0xee: {  	s0 =	sadd.s32 @!p0 $0x100000, s0;
	[bflag:$0x2] =	sbarrier.arrive $0xFFFF  }
0xef: {  	[sflag:s0] =	ssyncadd.tile.s32 @!p0 $0x1;
	_ =	shalt  }
.Lfunc_end2:
_tile_overlayer_lowered:
.L_overlay_start_2:
0xf0: {  	(tag) =	ssettag $0x2  }
0xf1: {  	s0 =	rddreg [dreg:$0x0];
	s2 =	stileid.u32  }
0xf2: {  	s1 =	rddreg [dreg:$0x1];
	p0 =	sne.s32 s2, $0x0  }
0xf3: {  	s3 =	rddreg [dreg:$0x2];
	[bflag:$0x3] =	sbarrier.arrive $0xFFFF;
	s2 =	simm.s32 @!p0 $0x1C08  }
0xf4: {  	[timem:s3], [sflag:s2] =	dma.local @!p0 [hbm:s0], s1  }
0xf5: {  	s0 =	simm.s32 @!p0 $0x8  }
0xf6: {  	_ =	swait.ge @!p0 [sflag:s0], s1  }
0xf7: {  	s1 =	ssub.s32 @!p0 $0x0, s1;
	[sflag:s0] =	ssyncset.done @!p0 $0x0  }
0xf8: {  	[sflag:s0] =	ssyncadd.s32 @!p0 s1  }
0xf9: {  	[bflag:$0x3] =	sbarrier.arrive $0xFFFF  }
0xfa: {  	_ =	shalt  }

</sc_bundles>
